<compile_context>
chip_gen: v7x
topology: tpu7x:2x2x1
jax: 0.10.2.dev20260603
libtpu: 0.0.44.dev20260713+nightly
codegen_flags: <defaults>
</compile_context>

<pallas_src>
import functools

import jax
import jax.numpy as jnp
from jax import lax
from jax.experimental import pallas as pl
from jax.experimental.pallas import tpu as pltpu
from jax.experimental.pallas import tpu_sc as plsc

N_NODES = 10000
N_EDGES = 320000
D_IN = 128
HIDDEN = 256

_NC = 2
_NS = 16
_C = 125
_G = 20
_NCH1 = N_EDGES // (_NC * _NS) // _C
_RPT = N_NODES // _NS
_CW = 16
_G2 = 40
_NCH2 = N_EDGES // _NS // _C

_mesh = plsc.VectorSubcoreMesh(core_axis_name="c", subcore_axis_name="s")


def _gather(table, sidx, j, buf, sem):
    return pltpu.make_async_copy(table.at[sidx.at[j]], buf, sem)


def _edge_loop(table, acc, sidx, didx, bufs, sems, n_chunks,
               per_chunk_extra=None):
    for b in range(2):
        _gather(table, sidx, b, bufs[b], sems[b]).start()

    def pair(j, inner):
        for b in range(2):
            jj = 2 * j + b
            _gather(table, sidx, jj, bufs[b], sems[b]).wait()
            pltpu.sync_copy(bufs[b], acc.at[didx.at[jj]], add=True)
            if per_chunk_extra is not None:
                per_chunk_extra(jj)

            @pl.when(jj + 2 < n_chunks)
            def _():
                _gather(table, sidx, jj + 2, bufs[b], sems[b]).start()

        return inner

    lax.fori_loop(0, n_chunks // 2, pair, 0)


@functools.partial(
    pl.kernel,
    mesh=_mesh,
    out_type=(
        jax.ShapeDtypeStruct((_NC, N_NODES, D_IN), jnp.float32),
        jax.ShapeDtypeStruct((_NC, N_NODES, _CW), jnp.float32),
    ),
    compiler_params=pltpu.CompilerParams(use_tc_tiling_on_sc=False),
    scratch_types=[
        pltpu.VMEM((_G, _C), jnp.int32),
        pltpu.VMEM((_G, _C), jnp.int32),
        pltpu.VMEM((_C, D_IN), jnp.float32),
        pltpu.VMEM((_C, D_IN), jnp.float32),
        pltpu.VMEM((_C, _CW), jnp.float32),
        pltpu.VMEM_SHARED((N_NODES, D_IN), jnp.float32),
        pltpu.VMEM_SHARED((N_NODES, _CW), jnp.float32),
        pltpu.SemaphoreType.DMA,
        pltpu.SemaphoreType.DMA,
    ],
)
def _sc_aggregate1(x, src, dst, zrows, zcnt, ones, out, outc, sidx, didx,
                   buf0, buf1, ones_v, acc, accc, sem0, sem1):
    c = lax.axis_index("c")
    s = lax.axis_index("s")
    r0 = s * _RPT
    bufs = (buf0, buf1)
    sems = (sem0, sem1)
    pltpu.sync_copy(zrows, acc.at[pl.ds(r0, _RPT)])
    pltpu.sync_copy(zcnt, accc.at[pl.ds(r0, _RPT)])
    pltpu.sync_copy(ones, ones_v)
    plsc.subcore_barrier()

    def ones_scatter(jj):
        pltpu.sync_copy(ones_v, accc.at[didx.at[jj]], add=True)

    def group(g, carry):
        pltpu.sync_copy(src.at[c, s, pl.ds(g * _G, _G)], sidx)
        pltpu.sync_copy(dst.at[c, s, pl.ds(g * _G, _G)], didx)
        _edge_loop(x, acc, sidx, didx, bufs, sems, _G,
                   per_chunk_extra=ones_scatter)
        return carry

    lax.fori_loop(0, _NCH1 // _G, group, 0)
    plsc.subcore_barrier()
    pltpu.sync_copy(acc.at[pl.ds(r0, _RPT)], out.at[c, pl.ds(r0, _RPT)])
    pltpu.sync_copy(accc.at[pl.ds(r0, _RPT)], outc.at[c, pl.ds(r0, _RPT)])


@functools.partial(
    pl.kernel,
    mesh=_mesh,
    out_type=jax.ShapeDtypeStruct((_NC, N_NODES, D_IN), jnp.float32),
    compiler_params=pltpu.CompilerParams(use_tc_tiling_on_sc=False),
    scratch_types=[
        pltpu.VMEM((_G2, _C), jnp.int32),
        pltpu.VMEM((_G2, _C), jnp.int32),
        pltpu.VMEM((_C, D_IN), jnp.float32),
        pltpu.VMEM((_C, D_IN), jnp.float32),
        pltpu.VMEM_SHARED((N_NODES, D_IN), jnp.float32),
        pltpu.SemaphoreType.DMA,
        pltpu.SemaphoreType.DMA,
    ],
)
def _sc_aggregate2(h2, src, dst, zrows, out, sidx, didx, buf0, buf1,
                   acc, sem0, sem1):
    c = lax.axis_index("c")
    s = lax.axis_index("s")
    r0 = s * _RPT
    bufs = (buf0, buf1)
    sems = (sem0, sem1)
    table = h2.at[c]
    pltpu.sync_copy(zrows, acc.at[pl.ds(r0, _RPT)])
    plsc.subcore_barrier()

    def group(g, carry):
        pltpu.sync_copy(src.at[s, pl.ds(g * _G2, _G2)], sidx)
        pltpu.sync_copy(dst.at[s, pl.ds(g * _G2, _G2)], didx)
        _edge_loop(table, acc, sidx, didx, bufs, sems, _G2)
        return carry

    lax.fori_loop(0, _NCH2 // _G2, group, 0)
    plsc.subcore_barrier()
    pltpu.sync_copy(acc.at[pl.ds(r0, _RPT)], out.at[c, pl.ds(r0, _RPT)])


_ROWS_TC = 2000


def _tc_layer1_body(p1_ref, c1_ref, x_ref, w1l_ref, b1l_ref, w1r_ref, h2_ref):
    summed = p1_ref[0] + p1_ref[1]
    cnt = c1_ref[0, :, 0:1] + c1_ref[1, :, 0:1]
    mean = summed * (1.0 / jnp.maximum(cnt, 1.0))
    out = (
        jnp.dot(mean, w1l_ref[...], preferred_element_type=jnp.float32)
        + jnp.dot(x_ref[...], w1r_ref[...], preferred_element_type=jnp.float32)
        + b1l_ref[...]
    )
    nrm = jnp.sqrt(jnp.sum(out * out, axis=-1, keepdims=True))
    out = out / jnp.maximum(nrm, 1e-12)
    out = jnp.maximum(out, 0.0)
    h2_ref[0] = out[:, :D_IN]
    h2_ref[1] = out[:, D_IN:]


def _tc_layer1(p1, c1, x, w1l, b1l, w1r):
    grid = (N_NODES // _ROWS_TC,)
    return pl.pallas_call(
        _tc_layer1_body,
        grid=grid,
        in_specs=[
            pl.BlockSpec((2, _ROWS_TC, D_IN), lambda i: (0, i, 0)),
            pl.BlockSpec((2, _ROWS_TC, _CW), lambda i: (0, i, 0)),
            pl.BlockSpec((_ROWS_TC, D_IN), lambda i: (i, 0)),
            pl.BlockSpec((D_IN, HIDDEN), lambda i: (0, 0)),
            pl.BlockSpec((1, HIDDEN), lambda i: (0, 0)),
            pl.BlockSpec((D_IN, HIDDEN), lambda i: (0, 0)),
        ],
        out_specs=pl.BlockSpec((2, _ROWS_TC, D_IN), lambda i: (0, i, 0)),
        out_shape=jax.ShapeDtypeStruct((2, N_NODES, D_IN), jnp.float32),
    )(p1, c1, x, w1l, b1l, w1r)


def _tc_layer2_body(m_ref, c1_ref, h2_ref, w2l_ref, b2l_ref, w2r_ref, out_ref):
    cnt = c1_ref[0, :, 0:1] + c1_ref[1, :, 0:1]
    rc = 1.0 / jnp.maximum(cnt, 1.0)
    ma = m_ref[0] * rc
    mb = m_ref[1] * rc
    out = (
        jnp.dot(ma, w2l_ref[:D_IN, :], preferred_element_type=jnp.float32)
        + jnp.dot(mb, w2l_ref[D_IN:, :], preferred_element_type=jnp.float32)
        + jnp.dot(h2_ref[0], w2r_ref[:D_IN, :], preferred_element_type=jnp.float32)
        + jnp.dot(h2_ref[1], w2r_ref[D_IN:, :], preferred_element_type=jnp.float32)
        + b2l_ref[...]
    )
    nrm = jnp.sqrt(jnp.sum(out * out, axis=-1, keepdims=True))
    out_ref[...] = out / jnp.maximum(nrm, 1e-12)


def _tc_layer2(m, c1, h2, w2l, b2l, w2r):
    grid = (N_NODES // _ROWS_TC,)
    return pl.pallas_call(
        _tc_layer2_body,
        grid=grid,
        in_specs=[
            pl.BlockSpec((2, _ROWS_TC, D_IN), lambda i: (0, i, 0)),
            pl.BlockSpec((2, _ROWS_TC, _CW), lambda i: (0, i, 0)),
            pl.BlockSpec((2, _ROWS_TC, D_IN), lambda i: (0, i, 0)),
            pl.BlockSpec((HIDDEN, HIDDEN), lambda i: (0, 0)),
            pl.BlockSpec((1, HIDDEN), lambda i: (0, 0)),
            pl.BlockSpec((HIDDEN, HIDDEN), lambda i: (0, 0)),
        ],
        out_specs=pl.BlockSpec((_ROWS_TC, HIDDEN), lambda i: (i, 0)),
        out_shape=jax.ShapeDtypeStruct((N_NODES, HIDDEN), jnp.float32),
    )(m, c1, h2, w2l, b2l, w2r)


def kernel(x, edge_index, W1l, b1l, W1r, W2l, b2l, W2r):
    src = edge_index[0].astype(jnp.int32)
    dst = edge_index[1].astype(jnp.int32)

    zrows = jnp.zeros((_RPT, D_IN), jnp.float32)
    zcnt = jnp.zeros((_RPT, _CW), jnp.float32)
    ones = jnp.ones((_C, _CW), jnp.float32)

    src1 = src.reshape(_NC, _NS, _NCH1, _C)
    dst1 = dst.reshape(_NC, _NS, _NCH1, _C)
    p1, c1 = _sc_aggregate1(x, src1, dst1, zrows, zcnt, ones)

    h2 = _tc_layer1(p1, c1, x, W1l, b1l.reshape(1, HIDDEN), W1r)

    src2 = src.reshape(_NS, _NCH2, _C)
    dst2 = dst.reshape(_NS, _NCH2, _C)
    m = _sc_aggregate2(h2, src2, dst2, zrows)

    return _tc_layer2(m, c1, h2, W2l, b2l.reshape(1, HIDDEN), W2r)

# --- scband reference (transcript-rebuilt; emitter-appended) ---
"""Pipeline reference for scband-gnn-70248485094038 (READ-ONLY COPY).

The authoritative reference and input builder live on the scoring server;
editing this copy changes nothing except your own understanding.
"""

import jax, jax.numpy as jnp
import numpy as np

N_NODES = 10000
N_EDGES = 320000
D_IN = 128
HIDDEN = 256


def setup_inputs(seed: int = 0) -> dict:
    key = jax.random.key(seed)
    ks = jax.random.split(key, 8)
    x = jax.random.normal(ks[0], (N_NODES, D_IN), dtype=jnp.float32)
    edge_index = jax.random.randint(ks[1], (2, N_EDGES), 0, N_NODES, dtype=jnp.int64)
    # SAGEConv layer 1: lin_l (neighbors, with bias), lin_r (root, no bias)
    s1 = 1.0 / np.sqrt(D_IN)
    W1l = jax.random.uniform(ks[2], (D_IN, HIDDEN), minval=-s1, maxval=s1, dtype=jnp.float32)
    b1l = jnp.zeros((HIDDEN,), dtype=jnp.float32)
    W1r = jax.random.uniform(ks[3], (D_IN, HIDDEN), minval=-s1, maxval=s1, dtype=jnp.float32)
    # SAGEConv layer 2
    s2 = 1.0 / np.sqrt(HIDDEN)
    W2l = jax.random.uniform(ks[4], (HIDDEN, HIDDEN), minval=-s2, maxval=s2, dtype=jnp.float32)
    b2l = jnp.zeros((HIDDEN,), dtype=jnp.float32)
    W2r = jax.random.uniform(ks[5], (HIDDEN, HIDDEN), minval=-s2, maxval=s2, dtype=jnp.float32)
    return {"x": x, "edge_index": edge_index, "W1l": W1l, "b1l": b1l, "W1r": W1r,
            "W2l": W2l, "b2l": b2l, "W2r": W2r}


def _sage_conv(x, src, dst, Wl, bl, Wr):
    # mean aggregation of neighbor messages (gather at src, scatter-add at dst)
    msgs = x[src]
    summed = jax.ops.segment_sum(msgs, dst, num_segments=N_NODES)
    cnt = jax.ops.segment_sum(jnp.ones((src.shape[0],), dtype=x.dtype), dst, num_segments=N_NODES)
    mean = summed / jnp.clip(cnt, 1.0, None)[:, None]
    out = mean @ Wl + bl + x @ Wr
    # normalize=True -> F.normalize(out, p=2, dim=-1)
    nrm = jnp.sqrt(jnp.sum(out * out, axis=-1, keepdims=True))
    out = out / jnp.maximum(nrm, 1e-12)
    return out


def reference(x, edge_index, W1l, b1l, W1r, W2l, b2l, W2r):
    src = edge_index[0]
    dst = edge_index[1]
    h = _sage_conv(x, src, dst, W1l, b1l, W1r)
    h = jax.nn.relu(h)
    out = _sage_conv(h, src, dst, W2l, b2l, W2r)
    return out

if __name__ == "__main__":
    import jax
    _d = setup_inputs()
    print(jax.jit(kernel)(*tuple(_d.values())))

</pallas_src>

<mosaic_0001>
#map = affine_map<(d0, d1) -> (0, 0)>
#map1 = affine_map<(d0, d1) -> (0, 0, 0, 0)>
#map2 = affine_map<(d0, d1) -> (0, 0, 0)>
module attributes {stable_mosaic.version = 14 : i64} {
  func.func @_sc_aggregate1(%arg0: i32, %arg1: i32, %arg2: memref<10000x128xf32, #tpu.memory_space<hbm>>, %arg3: memref<2x16x80x125xi32, #tpu.memory_space<hbm>>, %arg4: memref<2x16x80x125xi32, #tpu.memory_space<hbm>>, %arg5: memref<625x128xf32, #tpu.memory_space<hbm>>, %arg6: memref<625x16xf32, #tpu.memory_space<hbm>>, %arg7: memref<125x16xf32, #tpu.memory_space<hbm>>, %arg8: memref<2x10000x128xf32, #tpu.memory_space<hbm>>, %arg9: memref<2x10000x16xf32, #tpu.memory_space<hbm>>, %arg10: memref<20x125xi32, #tpu.memory_space<vmem>>, %arg11: memref<20x125xi32, #tpu.memory_space<vmem>>, %arg12: memref<125x128xf32, #tpu.memory_space<vmem>>, %arg13: memref<125x128xf32, #tpu.memory_space<vmem>>, %arg14: memref<125x16xf32, #tpu.memory_space<vmem>>, %arg15: memref<10000x128xf32, #tpu.memory_space<vmem_shared>>, %arg16: memref<10000x16xf32, #tpu.memory_space<vmem_shared>>, %arg17: memref<!tpu.dma_semaphore, #tpu.memory_space<semaphore_mem>>, %arg18: memref<!tpu.dma_semaphore, #tpu.memory_space<semaphore_mem>>) attributes {dimension_semantics = [#tpu.dimension_semantics<core_parallel>, #tpu.dimension_semantics<subcore_parallel>], iteration_bounds = array<i64: 2, 16>, scalar_prefetch = 0 : i64, scratch_operands = 9 : i64, tpu.core_type = #tpu.core_type<sc_vector_subcore>, window_params = [{transform_indices = #map}, {transform_indices = #map1}, {transform_indices = #map1}, {transform_indices = #map}, {transform_indices = #map}, {transform_indices = #map}, {transform_indices = #map2}, {transform_indices = #map2}]} {
    %mul3A = arith.constant 625 : i32
    %mul3A_0 = arith.muli %arg1, %mul3A : i32
    "tpu.region"() ({
      %run_scoped3A = tpu.sem_alloc : memref<!tpu.dma_semaphore, #tpu.memory_space<semaphore_mem>>
      %dma_start3A = arith.constant 0 : i32
      %dma_start3A_7 = tpu.memref_slice %arg15[%mul3A_0, %dma_start3A] : memref<10000x128xf32, #tpu.memory_space<vmem_shared>> -> memref<625x128xf32, #tpu.memory_space<vmem_shared>>
      tpu.enqueue_dma source(%arg5 : memref<625x128xf32, #tpu.memory_space<hbm>>) target(%dma_start3A_7 : memref<625x128xf32, #tpu.memory_space<vmem_shared>>) target_semaphore(%run_scoped3A : memref<!tpu.dma_semaphore, #tpu.memory_space<semaphore_mem>>)
      %dma_wait3A = arith.constant 0 : i32
      %dma_wait3A_8 = tpu.memref_slice %arg15[%mul3A_0, %dma_wait3A] : memref<10000x128xf32, #tpu.memory_space<vmem_shared>> -> memref<625x128xf32, #tpu.memory_space<vmem_shared>>
      tpu.wait_dma2 semaphore(%run_scoped3A : memref<!tpu.dma_semaphore, #tpu.memory_space<semaphore_mem>>) src(%arg5 : memref<625x128xf32, #tpu.memory_space<hbm>>) dst(%dma_wait3A_8 : memref<625x128xf32, #tpu.memory_space<vmem_shared>>)
      tpu.yield
    }) : () -> ()
    "tpu.region"() ({
      %run_scoped3A = tpu.sem_alloc : memref<!tpu.dma_semaphore, #tpu.memory_space<semaphore_mem>>
      %dma_start3A = arith.constant 0 : i32
      %dma_start3A_7 = tpu.memref_slice %arg16[%mul3A_0, %dma_start3A] : memref<10000x16xf32, #tpu.memory_space<vmem_shared>> -> memref<625x16xf32, #tpu.memory_space<vmem_shared>>
      tpu.enqueue_dma source(%arg6 : memref<625x16xf32, #tpu.memory_space<hbm>>) target(%dma_start3A_7 : memref<625x16xf32, #tpu.memory_space<vmem_shared>>) target_semaphore(%run_scoped3A : memref<!tpu.dma_semaphore, #tpu.memory_space<semaphore_mem>>)
      %dma_wait3A = arith.constant 0 : i32
      %dma_wait3A_8 = tpu.memref_slice %arg16[%mul3A_0, %dma_wait3A] : memref<10000x16xf32, #tpu.memory_space<vmem_shared>> -> memref<625x16xf32, #tpu.memory_space<vmem_shared>>
      tpu.wait_dma2 semaphore(%run_scoped3A : memref<!tpu.dma_semaphore, #tpu.memory_space<semaphore_mem>>) src(%arg6 : memref<625x16xf32, #tpu.memory_space<hbm>>) dst(%dma_wait3A_8 : memref<625x16xf32, #tpu.memory_space<vmem_shared>>)
      tpu.yield
    }) : () -> ()
    "tpu.region"() ({
      %run_scoped3A = tpu.sem_alloc : memref<!tpu.dma_semaphore, #tpu.memory_space<semaphore_mem>>
      tpu.enqueue_dma source(%arg7 : memref<125x16xf32, #tpu.memory_space<hbm>>) target(%arg14 : memref<125x16xf32, #tpu.memory_space<vmem>>) target_semaphore(%run_scoped3A : memref<!tpu.dma_semaphore, #tpu.memory_space<semaphore_mem>>)
      tpu.wait_dma2 semaphore(%run_scoped3A : memref<!tpu.dma_semaphore, #tpu.memory_space<semaphore_mem>>) src(%arg7 : memref<125x16xf32, #tpu.memory_space<hbm>>) dst(%arg14 : memref<125x16xf32, #tpu.memory_space<vmem>>)
      tpu.yield
    }) : () -> ()
    %barrier3A = arith.constant 0 : index
    tpu.barrier barrier_id(%barrier3A)
    %scan3A = arith.constant 0 : i32
    %scan3A_1 = arith.constant 0 : i32
    %scan3A_2 = arith.constant 4 : i32
    %scan3A_3 = arith.addi %scan3A_1, %scan3A_2 : i32
    %scan3A_4 = arith.constant 1 : i32
    scf.for %scan3A_7 = %scan3A_1 to %scan3A_3 step %scan3A_4  : i32 {
      %mul3A_8 = arith.constant 20 : i32
      %mul3A_9 = arith.muli %scan3A_7, %mul3A_8 : i32
      "tpu.region"() ({
        %run_scoped3A = tpu.sem_alloc : memref<!tpu.dma_semaphore, #tpu.memory_space<semaphore_mem>>
        %dma_start3A_31 = arith.constant 0 : i32
        %dma_start3A_32 = tpu.memref_slice %arg3[%arg0, %arg1, %mul3A_9, %dma_start3A_31] : memref<2x16x80x125xi32, #tpu.memory_space<hbm>> -> memref<1x1x20x125xi32, #tpu.memory_space<hbm>>
        %dma_start3A_33 = tpu.memref_squeeze %dma_start3A_32 : memref<1x1x20x125xi32, #tpu.memory_space<hbm>> -> memref<20x125xi32, #tpu.memory_space<hbm>>
        %dma_start3A_34 = arith.constant 0 : i32
        %dma_start3A_35 = tpu.memref_slice %arg3[%arg0, %arg1, %mul3A_9, %dma_start3A_34] : memref<2x16x80x125xi32, #tpu.memory_space<hbm>> -> memref<1x1x20x125xi32, #tpu.memory_space<hbm>>
        %dma_start3A_36 = tpu.memref_squeeze %dma_start3A_35 : memref<1x1x20x125xi32, #tpu.memory_space<hbm>> -> memref<20x125xi32, #tpu.memory_space<hbm>>
        tpu.enqueue_dma source(%dma_start3A_36 : memref<20x125xi32, #tpu.memory_space<hbm>>) target(%arg10 : memref<20x125xi32, #tpu.memory_space<vmem>>) target_semaphore(%run_scoped3A : memref<!tpu.dma_semaphore, #tpu.memory_space<semaphore_mem>>)
        %dma_wait3A = arith.constant 0 : i32
        %dma_wait3A_37 = tpu.memref_slice %arg3[%arg0, %arg1, %mul3A_9, %dma_wait3A] : memref<2x16x80x125xi32, #tpu.memory_space<hbm>> -> memref<1x1x20x125xi32, #tpu.memory_space<hbm>>
        %dma_wait3A_38 = tpu.memref_squeeze %dma_wait3A_37 : memref<1x1x20x125xi32, #tpu.memory_space<hbm>> -> memref<20x125xi32, #tpu.memory_space<hbm>>
        %dma_wait3A_39 = arith.constant 0 : i32
        %dma_wait3A_40 = tpu.memref_slice %arg3[%arg0, %arg1, %mul3A_9, %dma_wait3A_39] : memref<2x16x80x125xi32, #tpu.memory_space<hbm>> -> memref<1x1x20x125xi32, #tpu.memory_space<hbm>>
        %dma_wait3A_41 = tpu.memref_squeeze %dma_wait3A_40 : memref<1x1x20x125xi32, #tpu.memory_space<hbm>> -> memref<20x125xi32, #tpu.memory_space<hbm>>
        tpu.wait_dma2 semaphore(%run_scoped3A : memref<!tpu.dma_semaphore, #tpu.memory_space<semaphore_mem>>) src(%dma_wait3A_41 : memref<20x125xi32, #tpu.memory_space<hbm>>) dst(%arg10 : memref<20x125xi32, #tpu.memory_space<vmem>>)
        tpu.yield
      }) : () -> ()
      %mul3A_10 = arith.constant 20 : i32
      %mul3A_11 = arith.muli %scan3A_7, %mul3A_10 : i32
      "tpu.region"() ({
        %run_scoped3A = tpu.sem_alloc : memref<!tpu.dma_semaphore, #tpu.memory_space<semaphore_mem>>
        %dma_start3A_31 = arith.constant 0 : i32
        %dma_start3A_32 = tpu.memref_slice %arg4[%arg0, %arg1, %mul3A_11, %dma_start3A_31] : memref<2x16x80x125xi32, #tpu.memory_space<hbm>> -> memref<1x1x20x125xi32, #tpu.memory_space<hbm>>
        %dma_start3A_33 = tpu.memref_squeeze %dma_start3A_32 : memref<1x1x20x125xi32, #tpu.memory_space<hbm>> -> memref<20x125xi32, #tpu.memory_space<hbm>>
        %dma_start3A_34 = arith.constant 0 : i32
        %dma_start3A_35 = tpu.memref_slice %arg4[%arg0, %arg1, %mul3A_11, %dma_start3A_34] : memref<2x16x80x125xi32, #tpu.memory_space<hbm>> -> memref<1x1x20x125xi32, #tpu.memory_space<hbm>>
        %dma_start3A_36 = tpu.memref_squeeze %dma_start3A_35 : memref<1x1x20x125xi32, #tpu.memory_space<hbm>> -> memref<20x125xi32, #tpu.memory_space<hbm>>
        tpu.enqueue_dma source(%dma_start3A_36 : memref<20x125xi32, #tpu.memory_space<hbm>>) target(%arg11 : memref<20x125xi32, #tpu.memory_space<vmem>>) target_semaphore(%run_scoped3A : memref<!tpu.dma_semaphore, #tpu.memory_space<semaphore_mem>>)
        %dma_wait3A = arith.constant 0 : i32
        %dma_wait3A_37 = tpu.memref_slice %arg4[%arg0, %arg1, %mul3A_11, %dma_wait3A] : memref<2x16x80x125xi32, #tpu.memory_space<hbm>> -> memref<1x1x20x125xi32, #tpu.memory_space<hbm>>
        %dma_wait3A_38 = tpu.memref_squeeze %dma_wait3A_37 : memref<1x1x20x125xi32, #tpu.memory_space<hbm>> -> memref<20x125xi32, #tpu.memory_space<hbm>>
        %dma_wait3A_39 = arith.constant 0 : i32
        %dma_wait3A_40 = tpu.memref_slice %arg4[%arg0, %arg1, %mul3A_11, %dma_wait3A_39] : memref<2x16x80x125xi32, #tpu.memory_space<hbm>> -> memref<1x1x20x125xi32, #tpu.memory_space<hbm>>
        %dma_wait3A_41 = tpu.memref_squeeze %dma_wait3A_40 : memref<1x1x20x125xi32, #tpu.memory_space<hbm>> -> memref<20x125xi32, #tpu.memory_space<hbm>>
        tpu.wait_dma2 semaphore(%run_scoped3A : memref<!tpu.dma_semaphore, #tpu.memory_space<semaphore_mem>>) src(%dma_wait3A_41 : memref<20x125xi32, #tpu.memory_space<hbm>>) dst(%arg11 : memref<20x125xi32, #tpu.memory_space<vmem>>)
        tpu.yield
      }) : () -> ()
      %dma_start3A = arith.constant 0 : i32
      %dma_start3A_12 = arith.constant 0 : i32
      %dma_start3A_13 = tpu.memref_slice %arg10[%dma_start3A, %dma_start3A_12] : memref<20x125xi32, #tpu.memory_space<vmem>> -> memref<1x125xi32, #tpu.memory_space<vmem>>
      %dma_start3A_14 = tpu.memref_squeeze %dma_start3A_13 : memref<1x125xi32, #tpu.memory_space<vmem>> -> memref<125xi32, #tpu.memory_space<vmem>>
      %dma_start3A_15 = arith.constant 0 : i32
      %dma_start3A_16 = arith.constant 0 : i32
      %dma_start3A_17 = tpu.memref_slice %arg2[%dma_start3A_15, %dma_start3A_16] : memref<10000x128xf32, #tpu.memory_space<hbm>> -> memref<10000x128xf32, #tpu.memory_space<hbm>>
      tpu.enqueue_indirect_dma source(%dma_start3A_17 : memref<10000x128xf32, #tpu.memory_space<hbm>>) target(%arg12 : memref<125x128xf32, #tpu.memory_space<vmem>>) offsets(%dma_start3A_14 : memref<125xi32, #tpu.memory_space<vmem>>) semaphore(%arg17 : memref<!tpu.dma_semaphore, #tpu.memory_space<semaphore_mem>>)
      %dma_start3A_18 = arith.constant 1 : i32
      %dma_start3A_19 = arith.constant 0 : i32
      %dma_start3A_20 = tpu.memref_slice %arg10[%dma_start3A_18, %dma_start3A_19] : memref<20x125xi32, #tpu.memory_space<vmem>> -> memref<1x125xi32, #tpu.memory_space<vmem>>
      %dma_start3A_21 = tpu.memref_squeeze %dma_start3A_20 : memref<1x125xi32, #tpu.memory_space<vmem>> -> memref<125xi32, #tpu.memory_space<vmem>>
      %dma_start3A_22 = arith.constant 0 : i32
      %dma_start3A_23 = arith.constant 0 : i32
      %dma_start3A_24 = tpu.memref_slice %arg2[%dma_start3A_22, %dma_start3A_23] : memref<10000x128xf32, #tpu.memory_space<hbm>> -> memref<10000x128xf32, #tpu.memory_space<hbm>>
      tpu.enqueue_indirect_dma source(%dma_start3A_24 : memref<10000x128xf32, #tpu.memory_space<hbm>>) target(%arg13 : memref<125x128xf32, #tpu.memory_space<vmem>>) offsets(%dma_start3A_21 : memref<125xi32, #tpu.memory_space<vmem>>) semaphore(%arg18 : memref<!tpu.dma_semaphore, #tpu.memory_space<semaphore_mem>>)
      %scan3A_25 = arith.constant 0 : i32
      %scan3A_26 = arith.constant 0 : i32
      %scan3A_27 = arith.constant 10 : i32
      %scan3A_28 = arith.addi %scan3A_26, %scan3A_27 : i32
      %scan3A_29 = arith.constant 1 : i32
      scf.for %scan3A_31 = %scan3A_26 to %scan3A_28 step %scan3A_29  : i32 {
        %mul3A_32 = arith.constant 2 : i32
        %mul3A_33 = arith.muli %mul3A_32, %scan3A_31 : i32
        %add3A = arith.constant 0 : i32
        %add3A_34 = arith.addi %mul3A_33, %add3A : i32
        %dma_wait3A = arith.constant 0 : i32
        %dma_wait3A_35 = tpu.memref_slice %arg10[%add3A_34, %dma_wait3A] : memref<20x125xi32, #tpu.memory_space<vmem>> -> memref<1x125xi32, #tpu.memory_space<vmem>>
        %dma_wait3A_36 = tpu.memref_squeeze %dma_wait3A_35 : memref<1x125xi32, #tpu.memory_space<vmem>> -> memref<125xi32, #tpu.memory_space<vmem>>
        %dma_wait3A_37 = arith.constant 0 : i32
        %dma_wait3A_38 = arith.constant 0 : i32
        %dma_wait3A_39 = tpu.memref_slice %arg2[%dma_wait3A_37, %dma_wait3A_38] : memref<10000x128xf32, #tpu.memory_space<hbm>> -> memref<10000x128xf32, #tpu.memory_space<hbm>>
        tpu.wait_indirect_dma semaphore(%arg17 : memref<!tpu.dma_semaphore, #tpu.memory_space<semaphore_mem>>) src(%dma_wait3A_39 : memref<10000x128xf32, #tpu.memory_space<hbm>>) dst(%arg12 : memref<125x128xf32, #tpu.memory_space<vmem>>)
        "tpu.region"() ({
          %run_scoped3A = tpu.sem_alloc : memref<!tpu.dma_semaphore, #tpu.memory_space<semaphore_mem>>
          %dma_start3A_61 = arith.constant 0 : i32
          %dma_start3A_62 = tpu.memref_slice %arg11[%add3A_34, %dma_start3A_61] : memref<20x125xi32, #tpu.memory_space<vmem>> -> memref<1x125xi32, #tpu.memory_space<vmem>>
          %dma_start3A_63 = tpu.memref_squeeze %dma_start3A_62 : memref<1x125xi32, #tpu.memory_space<vmem>> -> memref<125xi32, #tpu.memory_space<vmem>>
          %dma_start3A_64 = arith.constant 0 : i32
          %dma_start3A_65 = arith.constant 0 : i32
          %dma_start3A_66 = tpu.memref_slice %arg15[%dma_start3A_64, %dma_start3A_65] : memref<10000x128xf32, #tpu.memory_space<vmem_shared>> -> memref<10000x128xf32, #tpu.memory_space<vmem_shared>>
          tpu.enqueue_indirect_dma source(%arg12 : memref<125x128xf32, #tpu.memory_space<vmem>>) target(%dma_start3A_66 : memref<10000x128xf32, #tpu.memory_space<vmem_shared>>) offsets(%dma_start3A_63 : memref<125xi32, #tpu.memory_space<vmem>>) semaphore(%run_scoped3A : memref<!tpu.dma_semaphore, #tpu.memory_space<semaphore_mem>>) {add = true}
          %dma_wait3A_67 = arith.constant 0 : i32
          %dma_wait3A_68 = tpu.memref_slice %arg11[%add3A_34, %dma_wait3A_67] : memref<20x125xi32, #tpu.memory_space<vmem>> -> memref<1x125xi32, #tpu.memory_space<vmem>>
          %dma_wait3A_69 = tpu.memref_squeeze %dma_wait3A_68 : memref<1x125xi32, #tpu.memory_space<vmem>> -> memref<125xi32, #tpu.memory_space<vmem>>
          %dma_wait3A_70 = arith.constant 0 : i32
          %dma_wait3A_71 = arith.constant 0 : i32
          %dma_wait3A_72 = tpu.memref_slice %arg15[%dma_wait3A_70, %dma_wait3A_71] : memref<10000x128xf32, #tpu.memory_space<vmem_shared>> -> memref<10000x128xf32, #tpu.memory_space<vmem_shared>>
          tpu.wait_indirect_dma semaphore(%run_scoped3A : memref<!tpu.dma_semaphore, #tpu.memory_space<semaphore_mem>>) src(%arg12 : memref<125x128xf32, #tpu.memory_space<vmem>>) dst(%dma_wait3A_72 : memref<10000x128xf32, #tpu.memory_space<vmem_shared>>)
          tpu.yield
        }) : () -> ()
        "tpu.region"() ({
          %run_scoped3A = tpu.sem_alloc : memref<!tpu.dma_semaphore, #tpu.memory_space<semaphore_mem>>
          %dma_start3A_61 = arith.constant 0 : i32
          %dma_start3A_62 = tpu.memref_slice %arg11[%add3A_34, %dma_start3A_61] : memref<20x125xi32, #tpu.memory_space<vmem>> -> memref<1x125xi32, #tpu.memory_space<vmem>>
          %dma_start3A_63 = tpu.memref_squeeze %dma_start3A_62 : memref<1x125xi32, #tpu.memory_space<vmem>> -> memref<125xi32, #tpu.memory_space<vmem>>
          %dma_start3A_64 = arith.constant 0 : i32
          %dma_start3A_65 = arith.constant 0 : i32
          %dma_start3A_66 = tpu.memref_slice %arg16[%dma_start3A_64, %dma_start3A_65] : memref<10000x16xf32, #tpu.memory_space<vmem_shared>> -> memref<10000x16xf32, #tpu.memory_space<vmem_shared>>
          tpu.enqueue_indirect_dma source(%arg14 : memref<125x16xf32, #tpu.memory_space<vmem>>) target(%dma_start3A_66 : memref<10000x16xf32, #tpu.memory_space<vmem_shared>>) offsets(%dma_start3A_63 : memref<125xi32, #tpu.memory_space<vmem>>) semaphore(%run_scoped3A : memref<!tpu.dma_semaphore, #tpu.memory_space<semaphore_mem>>) {add = true}
          %dma_wait3A_67 = arith.constant 0 : i32
          %dma_wait3A_68 = tpu.memref_slice %arg11[%add3A_34, %dma_wait3A_67] : memref<20x125xi32, #tpu.memory_space<vmem>> -> memref<1x125xi32, #tpu.memory_space<vmem>>
          %dma_wait3A_69 = tpu.memref_squeeze %dma_wait3A_68 : memref<1x125xi32, #tpu.memory_space<vmem>> -> memref<125xi32, #tpu.memory_space<vmem>>
          %dma_wait3A_70 = arith.constant 0 : i32
          %dma_wait3A_71 = arith.constant 0 : i32
          %dma_wait3A_72 = tpu.memref_slice %arg16[%dma_wait3A_70, %dma_wait3A_71] : memref<10000x16xf32, #tpu.memory_space<vmem_shared>> -> memref<10000x16xf32, #tpu.memory_space<vmem_shared>>
          tpu.wait_indirect_dma semaphore(%run_scoped3A : memref<!tpu.dma_semaphore, #tpu.memory_space<semaphore_mem>>) src(%arg14 : memref<125x16xf32, #tpu.memory_space<vmem>>) dst(%dma_wait3A_72 : memref<10000x16xf32, #tpu.memory_space<vmem_shared>>)
          tpu.yield
        }) : () -> ()
        %add3A_40 = arith.constant 2 : i32
        %add3A_41 = arith.addi %add3A_34, %add3A_40 : i32
        %lt3A = arith.constant 20 : i32
        %lt3A_42 = arith.cmpi slt, %add3A_41, %lt3A : i32
        %convert_element_type3A = arith.extui %lt3A_42 : i1 to i32
        %cond3A = arith.constant 0 : i32
        %cond3A_43 = arith.cmpi ne, %convert_element_type3A, %cond3A : i32
        scf.if %cond3A_43 {
          %add3A_61 = arith.constant 2 : i32
          %add3A_62 = arith.addi %add3A_34, %add3A_61 : i32
          %dma_start3A_63 = arith.constant 0 : i32
          %dma_start3A_64 = tpu.memref_slice %arg10[%add3A_62, %dma_start3A_63] : memref<20x125xi32, #tpu.memory_space<vmem>> -> memref<1x125xi32, #tpu.memory_space<vmem>>
          %dma_start3A_65 = tpu.memref_squeeze %dma_start3A_64 : memref<1x125xi32, #tpu.memory_space<vmem>> -> memref<125xi32, #tpu.memory_space<vmem>>
          %dma_start3A_66 = arith.constant 0 : i32
          %dma_start3A_67 = arith.constant 0 : i32
          %dma_start3A_68 = tpu.memref_slice %arg2[%dma_start3A_66, %dma_start3A_67] : memref<10000x128xf32, #tpu.memory_space<hbm>> -> memref<10000x128xf32, #tpu.memory_space<hbm>>
          tpu.enqueue_indirect_dma source(%dma_start3A_68 : memref<10000x128xf32, #tpu.memory_space<hbm>>) target(%arg12 : memref<125x128xf32, #tpu.memory_space<vmem>>) offsets(%dma_start3A_65 : memref<125xi32, #tpu.memory_space<vmem>>) semaphore(%arg17 : memref<!tpu.dma_semaphore, #tpu.memory_space<semaphore_mem>>)
        } else {
        }
        %mul3A_44 = arith.constant 2 : i32
        %mul3A_45 = arith.muli %mul3A_44, %scan3A_31 : i32
        %add3A_46 = arith.constant 1 : i32
        %add3A_47 = arith.addi %mul3A_45, %add3A_46 : i32
        %dma_wait3A_48 = arith.constant 0 : i32
        %dma_wait3A_49 = tpu.memref_slice %arg10[%add3A_47, %dma_wait3A_48] : memref<20x125xi32, #tpu.memory_space<vmem>> -> memref<1x125xi32, #tpu.memory_space<vmem>>
        %dma_wait3A_50 = tpu.memref_squeeze %dma_wait3A_49 : memref<1x125xi32, #tpu.memory_space<vmem>> -> memref<125xi32, #tpu.memory_space<vmem>>
        %dma_wait3A_51 = arith.constant 0 : i32
        %dma_wait3A_52 = arith.constant 0 : i32
        %dma_wait3A_53 = tpu.memref_slice %arg2[%dma_wait3A_51, %dma_wait3A_52] : memref<10000x128xf32, #tpu.memory_space<hbm>> -> memref<10000x128xf32, #tpu.memory_space<hbm>>
        tpu.wait_indirect_dma semaphore(%arg18 : memref<!tpu.dma_semaphore, #tpu.memory_space<semaphore_mem>>) src(%dma_wait3A_53 : memref<10000x128xf32, #tpu.memory_space<hbm>>) dst(%arg13 : memref<125x128xf32, #tpu.memory_space<vmem>>)
        "tpu.region"() ({
          %run_scoped3A = tpu.sem_alloc : memref<!tpu.dma_semaphore, #tpu.memory_space<semaphore_mem>>
          %dma_start3A_61 = arith.constant 0 : i32
          %dma_start3A_62 = tpu.memref_slice %arg11[%add3A_47, %dma_start3A_61] : memref<20x125xi32, #tpu.memory_space<vmem>> -> memref<1x125xi32, #tpu.memory_space<vmem>>
          %dma_start3A_63 = tpu.memref_squeeze %dma_start3A_62 : memref<1x125xi32, #tpu.memory_space<vmem>> -> memref<125xi32, #tpu.memory_space<vmem>>
          %dma_start3A_64 = arith.constant 0 : i32
          %dma_start3A_65 = arith.constant 0 : i32
          %dma_start3A_66 = tpu.memref_slice %arg15[%dma_start3A_64, %dma_start3A_65] : memref<10000x128xf32, #tpu.memory_space<vmem_shared>> -> memref<10000x128xf32, #tpu.memory_space<vmem_shared>>
          tpu.enqueue_indirect_dma source(%arg13 : memref<125x128xf32, #tpu.memory_space<vmem>>) target(%dma_start3A_66 : memref<10000x128xf32, #tpu.memory_space<vmem_shared>>) offsets(%dma_start3A_63 : memref<125xi32, #tpu.memory_space<vmem>>) semaphore(%run_scoped3A : memref<!tpu.dma_semaphore, #tpu.memory_space<semaphore_mem>>) {add = true}
          %dma_wait3A_67 = arith.constant 0 : i32
          %dma_wait3A_68 = tpu.memref_slice %arg11[%add3A_47, %dma_wait3A_67] : memref<20x125xi32, #tpu.memory_space<vmem>> -> memref<1x125xi32, #tpu.memory_space<vmem>>
          %dma_wait3A_69 = tpu.memref_squeeze %dma_wait3A_68 : memref<1x125xi32, #tpu.memory_space<vmem>> -> memref<125xi32, #tpu.memory_space<vmem>>
          %dma_wait3A_70 = arith.constant 0 : i32
          %dma_wait3A_71 = arith.constant 0 : i32
          %dma_wait3A_72 = tpu.memref_slice %arg15[%dma_wait3A_70, %dma_wait3A_71] : memref<10000x128xf32, #tpu.memory_space<vmem_shared>> -> memref<10000x128xf32, #tpu.memory_space<vmem_shared>>
          tpu.wait_indirect_dma semaphore(%run_scoped3A : memref<!tpu.dma_semaphore, #tpu.memory_space<semaphore_mem>>) src(%arg13 : memref<125x128xf32, #tpu.memory_space<vmem>>) dst(%dma_wait3A_72 : memref<10000x128xf32, #tpu.memory_space<vmem_shared>>)
          tpu.yield
        }) : () -> ()
        "tpu.region"() ({
          %run_scoped3A = tpu.sem_alloc : memref<!tpu.dma_semaphore, #tpu.memory_space<semaphore_mem>>
          %dma_start3A_61 = arith.constant 0 : i32
          %dma_start3A_62 = tpu.memref_slice %arg11[%add3A_47, %dma_start3A_61] : memref<20x125xi32, #tpu.memory_space<vmem>> -> memref<1x125xi32, #tpu.memory_space<vmem>>
          %dma_start3A_63 = tpu.memref_squeeze %dma_start3A_62 : memref<1x125xi32, #tpu.memory_space<vmem>> -> memref<125xi32, #tpu.memory_space<vmem>>
          %dma_start3A_64 = arith.constant 0 : i32
          %dma_start3A_65 = arith.constant 0 : i32
          %dma_start3A_66 = tpu.memref_slice %arg16[%dma_start3A_64, %dma_start3A_65] : memref<10000x16xf32, #tpu.memory_space<vmem_shared>> -> memref<10000x16xf32, #tpu.memory_space<vmem_shared>>
          tpu.enqueue_indirect_dma source(%arg14 : memref<125x16xf32, #tpu.memory_space<vmem>>) target(%dma_start3A_66 : memref<10000x16xf32, #tpu.memory_space<vmem_shared>>) offsets(%dma_start3A_63 : memref<125xi32, #tpu.memory_space<vmem>>) semaphore(%run_scoped3A : memref<!tpu.dma_semaphore, #tpu.memory_space<semaphore_mem>>) {add = true}
          %dma_wait3A_67 = arith.constant 0 : i32
          %dma_wait3A_68 = tpu.memref_slice %arg11[%add3A_47, %dma_wait3A_67] : memref<20x125xi32, #tpu.memory_space<vmem>> -> memref<1x125xi32, #tpu.memory_space<vmem>>
          %dma_wait3A_69 = tpu.memref_squeeze %dma_wait3A_68 : memref<1x125xi32, #tpu.memory_space<vmem>> -> memref<125xi32, #tpu.memory_space<vmem>>
          %dma_wait3A_70 = arith.constant 0 : i32
          %dma_wait3A_71 = arith.constant 0 : i32
          %dma_wait3A_72 = tpu.memref_slice %arg16[%dma_wait3A_70, %dma_wait3A_71] : memref<10000x16xf32, #tpu.memory_space<vmem_shared>> -> memref<10000x16xf32, #tpu.memory_space<vmem_shared>>
          tpu.wait_indirect_dma semaphore(%run_scoped3A : memref<!tpu.dma_semaphore, #tpu.memory_space<semaphore_mem>>) src(%arg14 : memref<125x16xf32, #tpu.memory_space<vmem>>) dst(%dma_wait3A_72 : memref<10000x16xf32, #tpu.memory_space<vmem_shared>>)
          tpu.yield
        }) : () -> ()
        %add3A_54 = arith.constant 2 : i32
        %add3A_55 = arith.addi %add3A_47, %add3A_54 : i32
        %lt3A_56 = arith.constant 20 : i32
        %lt3A_57 = arith.cmpi slt, %add3A_55, %lt3A_56 : i32
        %convert_element_type3A_58 = arith.extui %lt3A_57 : i1 to i32
        %cond3A_59 = arith.constant 0 : i32
        %cond3A_60 = arith.cmpi ne, %convert_element_type3A_58, %cond3A_59 : i32
        scf.if %cond3A_60 {
          %add3A_61 = arith.constant 2 : i32
          %add3A_62 = arith.addi %add3A_47, %add3A_61 : i32
          %dma_start3A_63 = arith.constant 0 : i32
          %dma_start3A_64 = tpu.memref_slice %arg10[%add3A_62, %dma_start3A_63] : memref<20x125xi32, #tpu.memory_space<vmem>> -> memref<1x125xi32, #tpu.memory_space<vmem>>
          %dma_start3A_65 = tpu.memref_squeeze %dma_start3A_64 : memref<1x125xi32, #tpu.memory_space<vmem>> -> memref<125xi32, #tpu.memory_space<vmem>>
          %dma_start3A_66 = arith.constant 0 : i32
          %dma_start3A_67 = arith.constant 0 : i32
          %dma_start3A_68 = tpu.memref_slice %arg2[%dma_start3A_66, %dma_start3A_67] : memref<10000x128xf32, #tpu.memory_space<hbm>> -> memref<10000x128xf32, #tpu.memory_space<hbm>>
          tpu.enqueue_indirect_dma source(%dma_start3A_68 : memref<10000x128xf32, #tpu.memory_space<hbm>>) target(%arg13 : memref<125x128xf32, #tpu.memory_space<vmem>>) offsets(%dma_start3A_65 : memref<125xi32, #tpu.memory_space<vmem>>) semaphore(%arg18 : memref<!tpu.dma_semaphore, #tpu.memory_space<semaphore_mem>>)
        } else {
        }
      }
      %scan3A_30 = arith.constant 10 : i32
    }
    %scan3A_5 = arith.constant 4 : i32
    %barrier3A_6 = arith.constant 0 : index
    tpu.barrier barrier_id(%barrier3A_6)
    "tpu.region"() ({
      %run_scoped3A = tpu.sem_alloc : memref<!tpu.dma_semaphore, #tpu.memory_space<semaphore_mem>>
      %dma_start3A = arith.constant 0 : i32
      %dma_start3A_7 = tpu.memref_slice %arg8[%arg0, %mul3A_0, %dma_start3A] : memref<2x10000x128xf32, #tpu.memory_space<hbm>> -> memref<1x625x128xf32, #tpu.memory_space<hbm>>
      %dma_start3A_8 = tpu.memref_squeeze %dma_start3A_7 : memref<1x625x128xf32, #tpu.memory_space<hbm>> -> memref<625x128xf32, #tpu.memory_space<hbm>>
      %dma_start3A_9 = arith.constant 0 : i32
      %dma_start3A_10 = tpu.memref_slice %arg15[%mul3A_0, %dma_start3A_9] : memref<10000x128xf32, #tpu.memory_space<vmem_shared>> -> memref<625x128xf32, #tpu.memory_space<vmem_shared>>
      tpu.enqueue_dma source(%dma_start3A_10 : memref<625x128xf32, #tpu.memory_space<vmem_shared>>) target(%dma_start3A_8 : memref<625x128xf32, #tpu.memory_space<hbm>>) target_semaphore(%run_scoped3A : memref<!tpu.dma_semaphore, #tpu.memory_space<semaphore_mem>>)
      %dma_wait3A = arith.constant 0 : i32
      %dma_wait3A_11 = tpu.memref_slice %arg8[%arg0, %mul3A_0, %dma_wait3A] : memref<2x10000x128xf32, #tpu.memory_space<hbm>> -> memref<1x625x128xf32, #tpu.memory_space<hbm>>
      %dma_wait3A_12 = tpu.memref_squeeze %dma_wait3A_11 : memref<1x625x128xf32, #tpu.memory_space<hbm>> -> memref<625x128xf32, #tpu.memory_space<hbm>>
      %dma_wait3A_13 = arith.constant 0 : i32
      %dma_wait3A_14 = tpu.memref_slice %arg15[%mul3A_0, %dma_wait3A_13] : memref<10000x128xf32, #tpu.memory_space<vmem_shared>> -> memref<625x128xf32, #tpu.memory_space<vmem_shared>>
      tpu.wait_dma2 semaphore(%run_scoped3A : memref<!tpu.dma_semaphore, #tpu.memory_space<semaphore_mem>>) src(%dma_wait3A_14 : memref<625x128xf32, #tpu.memory_space<vmem_shared>>) dst(%dma_wait3A_12 : memref<625x128xf32, #tpu.memory_space<hbm>>)
      tpu.yield
    }) : () -> ()
    "tpu.region"() ({
      %run_scoped3A = tpu.sem_alloc : memref<!tpu.dma_semaphore, #tpu.memory_space<semaphore_mem>>
      %dma_start3A = arith.constant 0 : i32
      %dma_start3A_7 = tpu.memref_slice %arg9[%arg0, %mul3A_0, %dma_start3A] : memref<2x10000x16xf32, #tpu.memory_space<hbm>> -> memref<1x625x16xf32, #tpu.memory_space<hbm>>
      %dma_start3A_8 = tpu.memref_squeeze %dma_start3A_7 : memref<1x625x16xf32, #tpu.memory_space<hbm>> -> memref<625x16xf32, #tpu.memory_space<hbm>>
      %dma_start3A_9 = arith.constant 0 : i32
      %dma_start3A_10 = tpu.memref_slice %arg16[%mul3A_0, %dma_start3A_9] : memref<10000x16xf32, #tpu.memory_space<vmem_shared>> -> memref<625x16xf32, #tpu.memory_space<vmem_shared>>
      tpu.enqueue_dma source(%dma_start3A_10 : memref<625x16xf32, #tpu.memory_space<vmem_shared>>) target(%dma_start3A_8 : memref<625x16xf32, #tpu.memory_space<hbm>>) target_semaphore(%run_scoped3A : memref<!tpu.dma_semaphore, #tpu.memory_space<semaphore_mem>>)
      %dma_wait3A = arith.constant 0 : i32
      %dma_wait3A_11 = tpu.memref_slice %arg9[%arg0, %mul3A_0, %dma_wait3A] : memref<2x10000x16xf32, #tpu.memory_space<hbm>> -> memref<1x625x16xf32, #tpu.memory_space<hbm>>
      %dma_wait3A_12 = tpu.memref_squeeze %dma_wait3A_11 : memref<1x625x16xf32, #tpu.memory_space<hbm>> -> memref<625x16xf32, #tpu.memory_space<hbm>>
      %dma_wait3A_13 = arith.constant 0 : i32
      %dma_wait3A_14 = tpu.memref_slice %arg16[%mul3A_0, %dma_wait3A_13] : memref<10000x16xf32, #tpu.memory_space<vmem_shared>> -> memref<625x16xf32, #tpu.memory_space<vmem_shared>>
      tpu.wait_dma2 semaphore(%run_scoped3A : memref<!tpu.dma_semaphore, #tpu.memory_space<semaphore_mem>>) src(%dma_wait3A_14 : memref<625x16xf32, #tpu.memory_space<vmem_shared>>) dst(%dma_wait3A_12 : memref<625x16xf32, #tpu.memory_space<hbm>>)
      tpu.yield
    }) : () -> ()
    return
  }
}

#map = affine_map<(d0, d1) -> (0, 0, 0)>
#map1 = affine_map<(d0, d1) -> (0, 0)>
module attributes {stable_mosaic.version = 14 : i64} {
  func.func @_sc_aggregate2(%arg0: i32, %arg1: i32, %arg2: memref<2x10000x128xf32, #tpu.memory_space<hbm>>, %arg3: memref<16x160x125xi32, #tpu.memory_space<hbm>>, %arg4: memref<16x160x125xi32, #tpu.memory_space<hbm>>, %arg5: memref<625x128xf32, #tpu.memory_space<hbm>>, %arg6: memref<2x10000x128xf32, #tpu.memory_space<hbm>>, %arg7: memref<40x125xi32, #tpu.memory_space<vmem>>, %arg8: memref<40x125xi32, #tpu.memory_space<vmem>>, %arg9: memref<125x128xf32, #tpu.memory_space<vmem>>, %arg10: memref<125x128xf32, #tpu.memory_space<vmem>>, %arg11: memref<10000x128xf32, #tpu.memory_space<vmem_shared>>, %arg12: memref<!tpu.dma_semaphore, #tpu.memory_space<semaphore_mem>>, %arg13: memref<!tpu.dma_semaphore, #tpu.memory_space<semaphore_mem>>) attributes {dimension_semantics = [#tpu.dimension_semantics<core_parallel>, #tpu.dimension_semantics<subcore_parallel>], iteration_bounds = array<i64: 2, 16>, scalar_prefetch = 0 : i64, scratch_operands = 7 : i64, tpu.core_type = #tpu.core_type<sc_vector_subcore>, window_params = [{transform_indices = #map}, {transform_indices = #map}, {transform_indices = #map}, {transform_indices = #map1}, {transform_indices = #map}]} {
    %mul3A = arith.constant 625 : i32
    %mul3A_0 = arith.muli %arg1, %mul3A : i32
    "tpu.region"() ({
      %run_scoped3A = tpu.sem_alloc : memref<!tpu.dma_semaphore, #tpu.memory_space<semaphore_mem>>
      %dma_start3A = arith.constant 0 : i32
      %dma_start3A_7 = tpu.memref_slice %arg11[%mul3A_0, %dma_start3A] : memref<10000x128xf32, #tpu.memory_space<vmem_shared>> -> memref<625x128xf32, #tpu.memory_space<vmem_shared>>
      tpu.enqueue_dma source(%arg5 : memref<625x128xf32, #tpu.memory_space<hbm>>) target(%dma_start3A_7 : memref<625x128xf32, #tpu.memory_space<vmem_shared>>) target_semaphore(%run_scoped3A : memref<!tpu.dma_semaphore, #tpu.memory_space<semaphore_mem>>)
      %dma_wait3A = arith.constant 0 : i32
      %dma_wait3A_8 = tpu.memref_slice %arg11[%mul3A_0, %dma_wait3A] : memref<10000x128xf32, #tpu.memory_space<vmem_shared>> -> memref<625x128xf32, #tpu.memory_space<vmem_shared>>
      tpu.wait_dma2 semaphore(%run_scoped3A : memref<!tpu.dma_semaphore, #tpu.memory_space<semaphore_mem>>) src(%arg5 : memref<625x128xf32, #tpu.memory_space<hbm>>) dst(%dma_wait3A_8 : memref<625x128xf32, #tpu.memory_space<vmem_shared>>)
      tpu.yield
    }) : () -> ()
    %barrier3A = arith.constant 0 : index
    tpu.barrier barrier_id(%barrier3A)
    %scan3A = arith.constant 0 : i32
    %scan3A_1 = arith.constant 0 : i32
    %scan3A_2 = arith.constant 4 : i32
    %scan3A_3 = arith.addi %scan3A_1, %scan3A_2 : i32
    %scan3A_4 = arith.constant 1 : i32
    scf.for %scan3A_7 = %scan3A_1 to %scan3A_3 step %scan3A_4  : i32 {
      %mul3A_8 = arith.constant 40 : i32
      %mul3A_9 = arith.muli %scan3A_7, %mul3A_8 : i32
      "tpu.region"() ({
        %run_scoped3A = tpu.sem_alloc : memref<!tpu.dma_semaphore, #tpu.memory_space<semaphore_mem>>
        %dma_start3A_39 = arith.constant 0 : i32
        %dma_start3A_40 = tpu.memref_slice %arg3[%arg1, %mul3A_9, %dma_start3A_39] : memref<16x160x125xi32, #tpu.memory_space<hbm>> -> memref<1x40x125xi32, #tpu.memory_space<hbm>>
        %dma_start3A_41 = tpu.memref_squeeze %dma_start3A_40 : memref<1x40x125xi32, #tpu.memory_space<hbm>> -> memref<40x125xi32, #tpu.memory_space<hbm>>
        %dma_start3A_42 = arith.constant 0 : i32
        %dma_start3A_43 = tpu.memref_slice %arg3[%arg1, %mul3A_9, %dma_start3A_42] : memref<16x160x125xi32, #tpu.memory_space<hbm>> -> memref<1x40x125xi32, #tpu.memory_space<hbm>>
        %dma_start3A_44 = tpu.memref_squeeze %dma_start3A_43 : memref<1x40x125xi32, #tpu.memory_space<hbm>> -> memref<40x125xi32, #tpu.memory_space<hbm>>
        tpu.enqueue_dma source(%dma_start3A_44 : memref<40x125xi32, #tpu.memory_space<hbm>>) target(%arg7 : memref<40x125xi32, #tpu.memory_space<vmem>>) target_semaphore(%run_scoped3A : memref<!tpu.dma_semaphore, #tpu.memory_space<semaphore_mem>>)
        %dma_wait3A = arith.constant 0 : i32
        %dma_wait3A_45 = tpu.memref_slice %arg3[%arg1, %mul3A_9, %dma_wait3A] : memref<16x160x125xi32, #tpu.memory_space<hbm>> -> memref<1x40x125xi32, #tpu.memory_space<hbm>>
        %dma_wait3A_46 = tpu.memref_squeeze %dma_wait3A_45 : memref<1x40x125xi32, #tpu.memory_space<hbm>> -> memref<40x125xi32, #tpu.memory_space<hbm>>
        %dma_wait3A_47 = arith.constant 0 : i32
        %dma_wait3A_48 = tpu.memref_slice %arg3[%arg1, %mul3A_9, %dma_wait3A_47] : memref<16x160x125xi32, #tpu.memory_space<hbm>> -> memref<1x40x125xi32, #tpu.memory_space<hbm>>
        %dma_wait3A_49 = tpu.memref_squeeze %dma_wait3A_48 : memref<1x40x125xi32, #tpu.memory_space<hbm>> -> memref<40x125xi32, #tpu.memory_space<hbm>>
        tpu.wait_dma2 semaphore(%run_scoped3A : memref<!tpu.dma_semaphore, #tpu.memory_space<semaphore_mem>>) src(%dma_wait3A_49 : memref<40x125xi32, #tpu.memory_space<hbm>>) dst(%arg7 : memref<40x125xi32, #tpu.memory_space<vmem>>)
        tpu.yield
      }) : () -> ()
      %mul3A_10 = arith.constant 40 : i32
      %mul3A_11 = arith.muli %scan3A_7, %mul3A_10 : i32
      "tpu.region"() ({
        %run_scoped3A = tpu.sem_alloc : memref<!tpu.dma_semaphore, #tpu.memory_space<semaphore_mem>>
        %dma_start3A_39 = arith.constant 0 : i32
        %dma_start3A_40 = tpu.memref_slice %arg4[%arg1, %mul3A_11, %dma_start3A_39] : memref<16x160x125xi32, #tpu.memory_space<hbm>> -> memref<1x40x125xi32, #tpu.memory_space<hbm>>
        %dma_start3A_41 = tpu.memref_squeeze %dma_start3A_40 : memref<1x40x125xi32, #tpu.memory_space<hbm>> -> memref<40x125xi32, #tpu.memory_space<hbm>>
        %dma_start3A_42 = arith.constant 0 : i32
        %dma_start3A_43 = tpu.memref_slice %arg4[%arg1, %mul3A_11, %dma_start3A_42] : memref<16x160x125xi32, #tpu.memory_space<hbm>> -> memref<1x40x125xi32, #tpu.memory_space<hbm>>
        %dma_start3A_44 = tpu.memref_squeeze %dma_start3A_43 : memref<1x40x125xi32, #tpu.memory_space<hbm>> -> memref<40x125xi32, #tpu.memory_space<hbm>>
        tpu.enqueue_dma source(%dma_start3A_44 : memref<40x125xi32, #tpu.memory_space<hbm>>) target(%arg8 : memref<40x125xi32, #tpu.memory_space<vmem>>) target_semaphore(%run_scoped3A : memref<!tpu.dma_semaphore, #tpu.memory_space<semaphore_mem>>)
        %dma_wait3A = arith.constant 0 : i32
        %dma_wait3A_45 = tpu.memref_slice %arg4[%arg1, %mul3A_11, %dma_wait3A] : memref<16x160x125xi32, #tpu.memory_space<hbm>> -> memref<1x40x125xi32, #tpu.memory_space<hbm>>
        %dma_wait3A_46 = tpu.memref_squeeze %dma_wait3A_45 : memref<1x40x125xi32, #tpu.memory_space<hbm>> -> memref<40x125xi32, #tpu.memory_space<hbm>>
        %dma_wait3A_47 = arith.constant 0 : i32
        %dma_wait3A_48 = tpu.memref_slice %arg4[%arg1, %mul3A_11, %dma_wait3A_47] : memref<16x160x125xi32, #tpu.memory_space<hbm>> -> memref<1x40x125xi32, #tpu.memory_space<hbm>>
        %dma_wait3A_49 = tpu.memref_squeeze %dma_wait3A_48 : memref<1x40x125xi32, #tpu.memory_space<hbm>> -> memref<40x125xi32, #tpu.memory_space<hbm>>
        tpu.wait_dma2 semaphore(%run_scoped3A : memref<!tpu.dma_semaphore, #tpu.memory_space<semaphore_mem>>) src(%dma_wait3A_49 : memref<40x125xi32, #tpu.memory_space<hbm>>) dst(%arg8 : memref<40x125xi32, #tpu.memory_space<vmem>>)
        tpu.yield
      }) : () -> ()
      %dma_start3A = arith.constant 0 : i32
      %dma_start3A_12 = arith.constant 0 : i32
      %dma_start3A_13 = tpu.memref_slice %arg7[%dma_start3A, %dma_start3A_12] : memref<40x125xi32, #tpu.memory_space<vmem>> -> memref<1x125xi32, #tpu.memory_space<vmem>>
      %dma_start3A_14 = tpu.memref_squeeze %dma_start3A_13 : memref<1x125xi32, #tpu.memory_space<vmem>> -> memref<125xi32, #tpu.memory_space<vmem>>
      %dma_start3A_15 = arith.constant 0 : i32
      %dma_start3A_16 = arith.constant 0 : i32
      %dma_start3A_17 = tpu.memref_slice %arg2[%arg0, %dma_start3A_15, %dma_start3A_16] : memref<2x10000x128xf32, #tpu.memory_space<hbm>> -> memref<1x10000x128xf32, #tpu.memory_space<hbm>>
      %dma_start3A_18 = tpu.memref_squeeze %dma_start3A_17 : memref<1x10000x128xf32, #tpu.memory_space<hbm>> -> memref<10000x128xf32, #tpu.memory_space<hbm>>
      %dma_start3A_19 = arith.constant 0 : i32
      %dma_start3A_20 = arith.constant 0 : i32
      %dma_start3A_21 = tpu.memref_slice %dma_start3A_18[%dma_start3A_19, %dma_start3A_20] : memref<10000x128xf32, #tpu.memory_space<hbm>> -> memref<10000x128xf32, #tpu.memory_space<hbm>>
      tpu.enqueue_indirect_dma source(%dma_start3A_21 : memref<10000x128xf32, #tpu.memory_space<hbm>>) target(%arg9 : memref<125x128xf32, #tpu.memory_space<vmem>>) offsets(%dma_start3A_14 : memref<125xi32, #tpu.memory_space<vmem>>) semaphore(%arg12 : memref<!tpu.dma_semaphore, #tpu.memory_space<semaphore_mem>>)
      %dma_start3A_22 = arith.constant 1 : i32
      %dma_start3A_23 = arith.constant 0 : i32
      %dma_start3A_24 = tpu.memref_slice %arg7[%dma_start3A_22, %dma_start3A_23] : memref<40x125xi32, #tpu.memory_space<vmem>> -> memref<1x125xi32, #tpu.memory_space<vmem>>
      %dma_start3A_25 = tpu.memref_squeeze %dma_start3A_24 : memref<1x125xi32, #tpu.memory_space<vmem>> -> memref<125xi32, #tpu.memory_space<vmem>>
      %dma_start3A_26 = arith.constant 0 : i32
      %dma_start3A_27 = arith.constant 0 : i32
      %dma_start3A_28 = tpu.memref_slice %arg2[%arg0, %dma_start3A_26, %dma_start3A_27] : memref<2x10000x128xf32, #tpu.memory_space<hbm>> -> memref<1x10000x128xf32, #tpu.memory_space<hbm>>
      %dma_start3A_29 = tpu.memref_squeeze %dma_start3A_28 : memref<1x10000x128xf32, #tpu.memory_space<hbm>> -> memref<10000x128xf32, #tpu.memory_space<hbm>>
      %dma_start3A_30 = arith.constant 0 : i32
      %dma_start3A_31 = arith.constant 0 : i32
      %dma_start3A_32 = tpu.memref_slice %dma_start3A_29[%dma_start3A_30, %dma_start3A_31] : memref<10000x128xf32, #tpu.memory_space<hbm>> -> memref<10000x128xf32, #tpu.memory_space<hbm>>
      tpu.enqueue_indirect_dma source(%dma_start3A_32 : memref<10000x128xf32, #tpu.memory_space<hbm>>) target(%arg10 : memref<125x128xf32, #tpu.memory_space<vmem>>) offsets(%dma_start3A_25 : memref<125xi32, #tpu.memory_space<vmem>>) semaphore(%arg13 : memref<!tpu.dma_semaphore, #tpu.memory_space<semaphore_mem>>)
      %scan3A_33 = arith.constant 0 : i32
      %scan3A_34 = arith.constant 0 : i32
      %scan3A_35 = arith.constant 20 : i32
      %scan3A_36 = arith.addi %scan3A_34, %scan3A_35 : i32
      %scan3A_37 = arith.constant 1 : i32
      scf.for %scan3A_39 = %scan3A_34 to %scan3A_36 step %scan3A_37  : i32 {
        %mul3A_40 = arith.constant 2 : i32
        %mul3A_41 = arith.muli %mul3A_40, %scan3A_39 : i32
        %add3A = arith.constant 0 : i32
        %add3A_42 = arith.addi %mul3A_41, %add3A : i32
        %dma_wait3A = arith.constant 0 : i32
        %dma_wait3A_43 = tpu.memref_slice %arg7[%add3A_42, %dma_wait3A] : memref<40x125xi32, #tpu.memory_space<vmem>> -> memref<1x125xi32, #tpu.memory_space<vmem>>
        %dma_wait3A_44 = tpu.memref_squeeze %dma_wait3A_43 : memref<1x125xi32, #tpu.memory_space<vmem>> -> memref<125xi32, #tpu.memory_space<vmem>>
        %dma_wait3A_45 = arith.constant 0 : i32
        %dma_wait3A_46 = arith.constant 0 : i32
        %dma_wait3A_47 = tpu.memref_slice %arg2[%arg0, %dma_wait3A_45, %dma_wait3A_46] : memref<2x10000x128xf32, #tpu.memory_space<hbm>> -> memref<1x10000x128xf32, #tpu.memory_space<hbm>>
        %dma_wait3A_48 = tpu.memref_squeeze %dma_wait3A_47 : memref<1x10000x128xf32, #tpu.memory_space<hbm>> -> memref<10000x128xf32, #tpu.memory_space<hbm>>
        %dma_wait3A_49 = arith.constant 0 : i32
        %dma_wait3A_50 = arith.constant 0 : i32
        %dma_wait3A_51 = tpu.memref_slice %dma_wait3A_48[%dma_wait3A_49, %dma_wait3A_50] : memref<10000x128xf32, #tpu.memory_space<hbm>> -> memref<10000x128xf32, #tpu.memory_space<hbm>>
        tpu.wait_indirect_dma semaphore(%arg12 : memref<!tpu.dma_semaphore, #tpu.memory_space<semaphore_mem>>) src(%dma_wait3A_51 : memref<10000x128xf32, #tpu.memory_space<hbm>>) dst(%arg9 : memref<125x128xf32, #tpu.memory_space<vmem>>)
        "tpu.region"() ({
          %run_scoped3A = tpu.sem_alloc : memref<!tpu.dma_semaphore, #tpu.memory_space<semaphore_mem>>
          %dma_start3A_77 = arith.constant 0 : i32
          %dma_start3A_78 = tpu.memref_slice %arg8[%add3A_42, %dma_start3A_77] : memref<40x125xi32, #tpu.memory_space<vmem>> -> memref<1x125xi32, #tpu.memory_space<vmem>>
          %dma_start3A_79 = tpu.memref_squeeze %dma_start3A_78 : memref<1x125xi32, #tpu.memory_space<vmem>> -> memref<125xi32, #tpu.memory_space<vmem>>
          %dma_start3A_80 = arith.constant 0 : i32
          %dma_start3A_81 = arith.constant 0 : i32
          %dma_start3A_82 = tpu.memref_slice %arg11[%dma_start3A_80, %dma_start3A_81] : memref<10000x128xf32, #tpu.memory_space<vmem_shared>> -> memref<10000x128xf32, #tpu.memory_space<vmem_shared>>
          tpu.enqueue_indirect_dma source(%arg9 : memref<125x128xf32, #tpu.memory_space<vmem>>) target(%dma_start3A_82 : memref<10000x128xf32, #tpu.memory_space<vmem_shared>>) offsets(%dma_start3A_79 : memref<125xi32, #tpu.memory_space<vmem>>) semaphore(%run_scoped3A : memref<!tpu.dma_semaphore, #tpu.memory_space<semaphore_mem>>) {add = true}
          %dma_wait3A_83 = arith.constant 0 : i32
          %dma_wait3A_84 = tpu.memref_slice %arg8[%add3A_42, %dma_wait3A_83] : memref<40x125xi32, #tpu.memory_space<vmem>> -> memref<1x125xi32, #tpu.memory_space<vmem>>
          %dma_wait3A_85 = tpu.memref_squeeze %dma_wait3A_84 : memref<1x125xi32, #tpu.memory_space<vmem>> -> memref<125xi32, #tpu.memory_space<vmem>>
          %dma_wait3A_86 = arith.constant 0 : i32
          %dma_wait3A_87 = arith.constant 0 : i32
          %dma_wait3A_88 = tpu.memref_slice %arg11[%dma_wait3A_86, %dma_wait3A_87] : memref<10000x128xf32, #tpu.memory_space<vmem_shared>> -> memref<10000x128xf32, #tpu.memory_space<vmem_shared>>
          tpu.wait_indirect_dma semaphore(%run_scoped3A : memref<!tpu.dma_semaphore, #tpu.memory_space<semaphore_mem>>) src(%arg9 : memref<125x128xf32, #tpu.memory_space<vmem>>) dst(%dma_wait3A_88 : memref<10000x128xf32, #tpu.memory_space<vmem_shared>>)
          tpu.yield
        }) : () -> ()
        %add3A_52 = arith.constant 2 : i32
        %add3A_53 = arith.addi %add3A_42, %add3A_52 : i32
        %lt3A = arith.constant 40 : i32
        %lt3A_54 = arith.cmpi slt, %add3A_53, %lt3A : i32
        %convert_element_type3A = arith.extui %lt3A_54 : i1 to i32
        %cond3A = arith.constant 0 : i32
        %cond3A_55 = arith.cmpi ne, %convert_element_type3A, %cond3A : i32
        scf.if %cond3A_55 {
          %add3A_77 = arith.constant 2 : i32
          %add3A_78 = arith.addi %add3A_42, %add3A_77 : i32
          %dma_start3A_79 = arith.constant 0 : i32
          %dma_start3A_80 = tpu.memref_slice %arg7[%add3A_78, %dma_start3A_79] : memref<40x125xi32, #tpu.memory_space<vmem>> -> memref<1x125xi32, #tpu.memory_space<vmem>>
          %dma_start3A_81 = tpu.memref_squeeze %dma_start3A_80 : memref<1x125xi32, #tpu.memory_space<vmem>> -> memref<125xi32, #tpu.memory_space<vmem>>
          %dma_start3A_82 = arith.constant 0 : i32
          %dma_start3A_83 = arith.constant 0 : i32
          %dma_start3A_84 = tpu.memref_slice %arg2[%arg0, %dma_start3A_82, %dma_start3A_83] : memref<2x10000x128xf32, #tpu.memory_space<hbm>> -> memref<1x10000x128xf32, #tpu.memory_space<hbm>>
          %dma_start3A_85 = tpu.memref_squeeze %dma_start3A_84 : memref<1x10000x128xf32, #tpu.memory_space<hbm>> -> memref<10000x128xf32, #tpu.memory_space<hbm>>
          %dma_start3A_86 = arith.constant 0 : i32
          %dma_start3A_87 = arith.constant 0 : i32
          %dma_start3A_88 = tpu.memref_slice %dma_start3A_85[%dma_start3A_86, %dma_start3A_87] : memref<10000x128xf32, #tpu.memory_space<hbm>> -> memref<10000x128xf32, #tpu.memory_space<hbm>>
          tpu.enqueue_indirect_dma source(%dma_start3A_88 : memref<10000x128xf32, #tpu.memory_space<hbm>>) target(%arg9 : memref<125x128xf32, #tpu.memory_space<vmem>>) offsets(%dma_start3A_81 : memref<125xi32, #tpu.memory_space<vmem>>) semaphore(%arg12 : memref<!tpu.dma_semaphore, #tpu.memory_space<semaphore_mem>>)
        } else {
        }
        %mul3A_56 = arith.constant 2 : i32
        %mul3A_57 = arith.muli %mul3A_56, %scan3A_39 : i32
        %add3A_58 = arith.constant 1 : i32
        %add3A_59 = arith.addi %mul3A_57, %add3A_58 : i32
        %dma_wait3A_60 = arith.constant 0 : i32
        %dma_wait3A_61 = tpu.memref_slice %arg7[%add3A_59, %dma_wait3A_60] : memref<40x125xi32, #tpu.memory_space<vmem>> -> memref<1x125xi32, #tpu.memory_space<vmem>>
        %dma_wait3A_62 = tpu.memref_squeeze %dma_wait3A_61 : memref<1x125xi32, #tpu.memory_space<vmem>> -> memref<125xi32, #tpu.memory_space<vmem>>
        %dma_wait3A_63 = arith.constant 0 : i32
        %dma_wait3A_64 = arith.constant 0 : i32
        %dma_wait3A_65 = tpu.memref_slice %arg2[%arg0, %dma_wait3A_63, %dma_wait3A_64] : memref<2x10000x128xf32, #tpu.memory_space<hbm>> -> memref<1x10000x128xf32, #tpu.memory_space<hbm>>
        %dma_wait3A_66 = tpu.memref_squeeze %dma_wait3A_65 : memref<1x10000x128xf32, #tpu.memory_space<hbm>> -> memref<10000x128xf32, #tpu.memory_space<hbm>>
        %dma_wait3A_67 = arith.constant 0 : i32
        %dma_wait3A_68 = arith.constant 0 : i32
        %dma_wait3A_69 = tpu.memref_slice %dma_wait3A_66[%dma_wait3A_67, %dma_wait3A_68] : memref<10000x128xf32, #tpu.memory_space<hbm>> -> memref<10000x128xf32, #tpu.memory_space<hbm>>
        tpu.wait_indirect_dma semaphore(%arg13 : memref<!tpu.dma_semaphore, #tpu.memory_space<semaphore_mem>>) src(%dma_wait3A_69 : memref<10000x128xf32, #tpu.memory_space<hbm>>) dst(%arg10 : memref<125x128xf32, #tpu.memory_space<vmem>>)
        "tpu.region"() ({
          %run_scoped3A = tpu.sem_alloc : memref<!tpu.dma_semaphore, #tpu.memory_space<semaphore_mem>>
          %dma_start3A_77 = arith.constant 0 : i32
          %dma_start3A_78 = tpu.memref_slice %arg8[%add3A_59, %dma_start3A_77] : memref<40x125xi32, #tpu.memory_space<vmem>> -> memref<1x125xi32, #tpu.memory_space<vmem>>
          %dma_start3A_79 = tpu.memref_squeeze %dma_start3A_78 : memref<1x125xi32, #tpu.memory_space<vmem>> -> memref<125xi32, #tpu.memory_space<vmem>>
          %dma_start3A_80 = arith.constant 0 : i32
          %dma_start3A_81 = arith.constant 0 : i32
          %dma_start3A_82 = tpu.memref_slice %arg11[%dma_start3A_80, %dma_start3A_81] : memref<10000x128xf32, #tpu.memory_space<vmem_shared>> -> memref<10000x128xf32, #tpu.memory_space<vmem_shared>>
          tpu.enqueue_indirect_dma source(%arg10 : memref<125x128xf32, #tpu.memory_space<vmem>>) target(%dma_start3A_82 : memref<10000x128xf32, #tpu.memory_space<vmem_shared>>) offsets(%dma_start3A_79 : memref<125xi32, #tpu.memory_space<vmem>>) semaphore(%run_scoped3A : memref<!tpu.dma_semaphore, #tpu.memory_space<semaphore_mem>>) {add = true}
          %dma_wait3A_83 = arith.constant 0 : i32
          %dma_wait3A_84 = tpu.memref_slice %arg8[%add3A_59, %dma_wait3A_83] : memref<40x125xi32, #tpu.memory_space<vmem>> -> memref<1x125xi32, #tpu.memory_space<vmem>>
          %dma_wait3A_85 = tpu.memref_squeeze %dma_wait3A_84 : memref<1x125xi32, #tpu.memory_space<vmem>> -> memref<125xi32, #tpu.memory_space<vmem>>
          %dma_wait3A_86 = arith.constant 0 : i32
          %dma_wait3A_87 = arith.constant 0 : i32
          %dma_wait3A_88 = tpu.memref_slice %arg11[%dma_wait3A_86, %dma_wait3A_87] : memref<10000x128xf32, #tpu.memory_space<vmem_shared>> -> memref<10000x128xf32, #tpu.memory_space<vmem_shared>>
          tpu.wait_indirect_dma semaphore(%run_scoped3A : memref<!tpu.dma_semaphore, #tpu.memory_space<semaphore_mem>>) src(%arg10 : memref<125x128xf32, #tpu.memory_space<vmem>>) dst(%dma_wait3A_88 : memref<10000x128xf32, #tpu.memory_space<vmem_shared>>)
          tpu.yield
        }) : () -> ()
        %add3A_70 = arith.constant 2 : i32
        %add3A_71 = arith.addi %add3A_59, %add3A_70 : i32
        %lt3A_72 = arith.constant 40 : i32
        %lt3A_73 = arith.cmpi slt, %add3A_71, %lt3A_72 : i32
        %convert_element_type3A_74 = arith.extui %lt3A_73 : i1 to i32
        %cond3A_75 = arith.constant 0 : i32
        %cond3A_76 = arith.cmpi ne, %convert_element_type3A_74, %cond3A_75 : i32
        scf.if %cond3A_76 {
          %add3A_77 = arith.constant 2 : i32
          %add3A_78 = arith.addi %add3A_59, %add3A_77 : i32
          %dma_start3A_79 = arith.constant 0 : i32
          %dma_start3A_80 = tpu.memref_slice %arg7[%add3A_78, %dma_start3A_79] : memref<40x125xi32, #tpu.memory_space<vmem>> -> memref<1x125xi32, #tpu.memory_space<vmem>>
          %dma_start3A_81 = tpu.memref_squeeze %dma_start3A_80 : memref<1x125xi32, #tpu.memory_space<vmem>> -> memref<125xi32, #tpu.memory_space<vmem>>
          %dma_start3A_82 = arith.constant 0 : i32
          %dma_start3A_83 = arith.constant 0 : i32
          %dma_start3A_84 = tpu.memref_slice %arg2[%arg0, %dma_start3A_82, %dma_start3A_83] : memref<2x10000x128xf32, #tpu.memory_space<hbm>> -> memref<1x10000x128xf32, #tpu.memory_space<hbm>>
          %dma_start3A_85 = tpu.memref_squeeze %dma_start3A_84 : memref<1x10000x128xf32, #tpu.memory_space<hbm>> -> memref<10000x128xf32, #tpu.memory_space<hbm>>
          %dma_start3A_86 = arith.constant 0 : i32
          %dma_start3A_87 = arith.constant 0 : i32
          %dma_start3A_88 = tpu.memref_slice %dma_start3A_85[%dma_start3A_86, %dma_start3A_87] : memref<10000x128xf32, #tpu.memory_space<hbm>> -> memref<10000x128xf32, #tpu.memory_space<hbm>>
          tpu.enqueue_indirect_dma source(%dma_start3A_88 : memref<10000x128xf32, #tpu.memory_space<hbm>>) target(%arg10 : memref<125x128xf32, #tpu.memory_space<vmem>>) offsets(%dma_start3A_81 : memref<125xi32, #tpu.memory_space<vmem>>) semaphore(%arg13 : memref<!tpu.dma_semaphore, #tpu.memory_space<semaphore_mem>>)
        } else {
        }
      }
      %scan3A_38 = arith.constant 20 : i32
    }
    %scan3A_5 = arith.constant 4 : i32
    %barrier3A_6 = arith.constant 0 : index
    tpu.barrier barrier_id(%barrier3A_6)
    "tpu.region"() ({
      %run_scoped3A = tpu.sem_alloc : memref<!tpu.dma_semaphore, #tpu.memory_space<semaphore_mem>>
      %dma_start3A = arith.constant 0 : i32
      %dma_start3A_7 = tpu.memref_slice %arg6[%arg0, %mul3A_0, %dma_start3A] : memref<2x10000x128xf32, #tpu.memory_space<hbm>> -> memref<1x625x128xf32, #tpu.memory_space<hbm>>
      %dma_start3A_8 = tpu.memref_squeeze %dma_start3A_7 : memref<1x625x128xf32, #tpu.memory_space<hbm>> -> memref<625x128xf32, #tpu.memory_space<hbm>>
      %dma_start3A_9 = arith.constant 0 : i32
      %dma_start3A_10 = tpu.memref_slice %arg11[%mul3A_0, %dma_start3A_9] : memref<10000x128xf32, #tpu.memory_space<vmem_shared>> -> memref<625x128xf32, #tpu.memory_space<vmem_shared>>
      tpu.enqueue_dma source(%dma_start3A_10 : memref<625x128xf32, #tpu.memory_space<vmem_shared>>) target(%dma_start3A_8 : memref<625x128xf32, #tpu.memory_space<hbm>>) target_semaphore(%run_scoped3A : memref<!tpu.dma_semaphore, #tpu.memory_space<semaphore_mem>>)
      %dma_wait3A = arith.constant 0 : i32
      %dma_wait3A_11 = tpu.memref_slice %arg6[%arg0, %mul3A_0, %dma_wait3A] : memref<2x10000x128xf32, #tpu.memory_space<hbm>> -> memref<1x625x128xf32, #tpu.memory_space<hbm>>
      %dma_wait3A_12 = tpu.memref_squeeze %dma_wait3A_11 : memref<1x625x128xf32, #tpu.memory_space<hbm>> -> memref<625x128xf32, #tpu.memory_space<hbm>>
      %dma_wait3A_13 = arith.constant 0 : i32
      %dma_wait3A_14 = tpu.memref_slice %arg11[%mul3A_0, %dma_wait3A_13] : memref<10000x128xf32, #tpu.memory_space<vmem_shared>> -> memref<625x128xf32, #tpu.memory_space<vmem_shared>>
      tpu.wait_dma2 semaphore(%run_scoped3A : memref<!tpu.dma_semaphore, #tpu.memory_space<semaphore_mem>>) src(%dma_wait3A_14 : memref<625x128xf32, #tpu.memory_space<vmem_shared>>) dst(%dma_wait3A_12 : memref<625x128xf32, #tpu.memory_space<hbm>>)
      tpu.yield
    }) : () -> ()
    return
  }
}

module attributes {stable_mosaic.version = 14 : i64} {
  func.func @_tc_layer1_body(%arg0: i32, %arg1: memref<2x2000x128xf32, #tpu.memory_space<vmem>>, %arg2: memref<2x2000x16xf32, #tpu.memory_space<vmem>>, %arg3: memref<2000x128xf32, #tpu.memory_space<vmem>>, %arg4: memref<128x256xf32, #tpu.memory_space<vmem>>, %arg5: memref<1x256xf32, #tpu.memory_space<vmem>>, %arg6: memref<128x256xf32, #tpu.memory_space<vmem>>, %arg7: memref<2x2000x128xf32, #tpu.memory_space<vmem>>) attributes {dimension_semantics = [#tpu.dimension_semantics<arbitrary>], iteration_bounds = array<i64: 5>, scalar_prefetch = 0 : i64, scratch_operands = 0 : i64, tpu.core_type = #tpu.core_type<tc>, window_params = [{transform_indices = @transform_0, window_bounds = array<i64: 2, 2000, 128>}, {transform_indices = @transform_1, window_bounds = array<i64: 2, 2000, 16>}, {transform_indices = @transform_2, window_bounds = array<i64: 2000, 128>}, {pipeline_mode = #tpu.pipeline_mode<synchronous>, transform_indices = @transform_3, window_bounds = array<i64: 128, 256>}, {pipeline_mode = #tpu.pipeline_mode<synchronous>, transform_indices = @transform_4, window_bounds = array<i64: 1, 256>}, {pipeline_mode = #tpu.pipeline_mode<synchronous>, transform_indices = @transform_5, window_bounds = array<i64: 128, 256>}, {transform_indices = @transform_6, window_bounds = array<i64: 2, 2000, 128>}]} {
    %get3A = arith.constant 0 : index
    %get3A_0 = arith.constant 0 : index
    %get3A_1 = arith.constant 0 : index
    %get3A_2 = vector.load %arg1[%get3A, %get3A_0, %get3A_1] : memref<2x2000x128xf32, #tpu.memory_space<vmem>>, vector<1x2000x128xf32>
    %get3A_3 = vector.shape_cast %get3A_2 : vector<1x2000x128xf32> to vector<2000x128xf32>
    %get3A_4 = arith.constant 1 : index
    %get3A_5 = arith.constant 0 : index
    %get3A_6 = arith.constant 0 : index
    %get3A_7 = vector.load %arg1[%get3A_4, %get3A_5, %get3A_6] : memref<2x2000x128xf32, #tpu.memory_space<vmem>>, vector<1x2000x128xf32>
    %get3A_8 = vector.shape_cast %get3A_7 : vector<1x2000x128xf32> to vector<2000x128xf32>
    %add3A = arith.addf %get3A_3, %get3A_8 : vector<2000x128xf32>
    %get3A_9 = arith.constant 0 : index
    %get3A_10 = arith.constant 0 : index
    %get3A_11 = arith.constant 0 : index
    %get3A_12 = vector.load %arg2[%get3A_9, %get3A_10, %get3A_11] : memref<2x2000x16xf32, #tpu.memory_space<vmem>>, vector<1x2000x1xf32>
    %get3A_13 = vector.shape_cast %get3A_12 : vector<1x2000x1xf32> to vector<2000x1xf32>
    %get3A_14 = arith.constant 1 : index
    %get3A_15 = arith.constant 0 : index
    %get3A_16 = arith.constant 0 : index
    %get3A_17 = vector.load %arg2[%get3A_14, %get3A_15, %get3A_16] : memref<2x2000x16xf32, #tpu.memory_space<vmem>>, vector<1x2000x1xf32>
    %get3A_18 = vector.shape_cast %get3A_17 : vector<1x2000x1xf32> to vector<2000x1xf32>
    %add3A_19 = arith.addf %get3A_13, %get3A_18 : vector<2000x1xf32>
    %max3A = arith.constant 1.000000e+00 : f32
    %max3A_20 = vector.broadcast %max3A : f32 to vector<2000x1xf32>
    %max3A_21 = arith.maximumf %add3A_19, %max3A_20 : vector<2000x1xf32>
    %div3A = arith.constant 1.000000e+00 : f32
    %div3A_22 = vector.broadcast %div3A : f32 to vector<2000x1xf32>
    %div3A_23 = arith.divf %div3A_22, %max3A_21 : vector<2000x1xf32>
    %mul3A = vector.broadcast %div3A_23 : vector<2000x1xf32> to vector<2000x128xf32>
    %mul3A_24 = arith.mulf %add3A, %mul3A : vector<2000x128xf32>
    %get3A_25 = arith.constant 0 : index
    %get3A_26 = arith.constant 0 : index
    %get3A_27 = vector.load %arg4[%get3A_25, %get3A_26] : memref<128x256xf32, #tpu.memory_space<vmem>>, vector<128x256xf32>
    %dot_general3A = arith.constant dense<0.000000e+00> : vector<2000x256xf32>
    %dot_general3A_28 = tpu.matmul %mul3A_24, %get3A_27, %dot_general3A {dimension_numbers = #tpu.dot_dimension_numbers<[1], [0], [0], [1], [0, 0, 1, 1], [], []>, transpose_lhs_hint = false} : vector<2000x128xf32>, vector<128x256xf32>, vector<2000x256xf32> -> vector<2000x256xf32>
    %get3A_29 = arith.constant 0 : index
    %get3A_30 = arith.constant 0 : index
    %get3A_31 = vector.load %arg3[%get3A_29, %get3A_30] : memref<2000x128xf32, #tpu.memory_space<vmem>>, vector<2000x128xf32>
    %get3A_32 = arith.constant 0 : index
    %get3A_33 = arith.constant 0 : index
    %get3A_34 = vector.load %arg6[%get3A_32, %get3A_33] : memref<128x256xf32, #tpu.memory_space<vmem>>, vector<128x256xf32>
    %dot_general3A_35 = arith.constant dense<0.000000e+00> : vector<2000x256xf32>
    %dot_general3A_36 = tpu.matmul %get3A_31, %get3A_34, %dot_general3A_35 {dimension_numbers = #tpu.dot_dimension_numbers<[1], [0], [0], [1], [0, 0, 1, 1], [], []>, transpose_lhs_hint = false} : vector<2000x128xf32>, vector<128x256xf32>, vector<2000x256xf32> -> vector<2000x256xf32>
    %add3A_37 = arith.addf %dot_general3A_28, %dot_general3A_36 : vector<2000x256xf32>
    %get3A_38 = arith.constant 0 : index
    %get3A_39 = arith.constant 0 : index
    %get3A_40 = vector.load %arg5[%get3A_38, %get3A_39] : memref<1x256xf32, #tpu.memory_space<vmem>>, vector<1x256xf32>
    %add3A_41 = vector.broadcast %get3A_40 : vector<1x256xf32> to vector<2000x256xf32>
    %add3A_42 = arith.addf %add3A_37, %add3A_41 : vector<2000x256xf32>
    %mul3A_43 = arith.mulf %add3A_42, %add3A_42 : vector<2000x256xf32>
    %reduce_sum3A = arith.constant dense<0.000000e+00> : vector<2000xf32>
    %reduce_sum3A_44 = vector.multi_reduction <add>, %mul3A_43, %reduce_sum3A [1] : vector<2000x256xf32> to vector<2000xf32>
    %broadcast_in_dim3A = vector.shape_cast %reduce_sum3A_44 : vector<2000xf32> to vector<2000x1xf32>
    %sqrt3A = math.sqrt %broadcast_in_dim3A : vector<2000x1xf32>
    %max3A_45 = arith.constant 9.99999996E-13 : f32
    %max3A_46 = vector.broadcast %max3A_45 : f32 to vector<2000x1xf32>
    %max3A_47 = arith.maximumf %sqrt3A, %max3A_46 : vector<2000x1xf32>
    %div3A_48 = vector.broadcast %max3A_47 : vector<2000x1xf32> to vector<2000x256xf32>
    %div3A_49 = arith.divf %add3A_42, %div3A_48 : vector<2000x256xf32>
    %max3A_50 = arith.constant 0.000000e+00 : f32
    %max3A_51 = vector.broadcast %max3A_50 : f32 to vector<2000x256xf32>
    %max3A_52 = arith.maximumf %div3A_49, %max3A_51 : vector<2000x256xf32>
    %slice3A = vector.extract_strided_slice %max3A_52 {offsets = [0, 0], sizes = [2000, 128], strides = [1, 1]} : vector<2000x256xf32> to vector<2000x128xf32>
    %swap3A = arith.constant 0 : index
    %swap3A_53 = arith.constant 0 : index
    %swap3A_54 = arith.constant 0 : index
    %swap3A_55 = vector.load %arg7[%swap3A, %swap3A_53, %swap3A_54] : memref<2x2000x128xf32, #tpu.memory_space<vmem>>, vector<1x2000x128xf32>
    %swap3A_56 = vector.shape_cast %swap3A_55 : vector<1x2000x128xf32> to vector<2000x128xf32>
    %swap3A_57 = vector.shape_cast %slice3A : vector<2000x128xf32> to vector<1x2000x128xf32>
    tpu.vector_store %arg7[%swap3A, %swap3A_53, %swap3A_54], %swap3A_57 {strides = array<i32>} : memref<2x2000x128xf32, #tpu.memory_space<vmem>>, vector<1x2000x128xf32>,
    %slice3A_58 = vector.extract_strided_slice %max3A_52 {offsets = [0, 128], sizes = [2000, 128], strides = [1, 1]} : vector<2000x256xf32> to vector<2000x128xf32>
    %swap3A_59 = arith.constant 1 : index
    %swap3A_60 = arith.constant 0 : index
    %swap3A_61 = arith.constant 0 : index
    %swap3A_62 = vector.load %arg7[%swap3A_59, %swap3A_60, %swap3A_61] : memref<2x2000x128xf32, #tpu.memory_space<vmem>>, vector<1x2000x128xf32>
    %swap3A_63 = vector.shape_cast %swap3A_62 : vector<1x2000x128xf32> to vector<2000x128xf32>
    %swap3A_64 = vector.shape_cast %slice3A_58 : vector<2000x128xf32> to vector<1x2000x128xf32>
    tpu.vector_store %arg7[%swap3A_59, %swap3A_60, %swap3A_61], %swap3A_64 {strides = array<i32>} : memref<2x2000x128xf32, #tpu.memory_space<vmem>>, vector<1x2000x128xf32>,
    return
  }
  func.func @transform_0(%arg0: i32) -> (i32, i32, i32) {
    %c0_i32 = arith.constant 0 : i32
    %c0_i32_0 = arith.constant 0 : i32
    %c0_i32_1 = arith.constant 0 : i32
    return %c0_i32, %arg0, %c0_i32_0 : i32, i32, i32
  }
  func.func @transform_1(%arg0: i32) -> (i32, i32, i32) {
    %c0_i32 = arith.constant 0 : i32
    %c0_i32_0 = arith.constant 0 : i32
    %c0_i32_1 = arith.constant 0 : i32
    return %c0_i32, %arg0, %c0_i32_0 : i32, i32, i32
  }
  func.func @transform_2(%arg0: i32) -> (i32, i32) {
    %c0_i32 = arith.constant 0 : i32
    %c0_i32_0 = arith.constant 0 : i32
    return %arg0, %c0_i32 : i32, i32
  }
  func.func @transform_3(%arg0: i32) -> (i32, i32) {
    %c0_i32 = arith.constant 0 : i32
    %c0_i32_0 = arith.constant 0 : i32
    %c0_i32_1 = arith.constant 0 : i32
    return %c0_i32, %c0_i32_0 : i32, i32
  }
  func.func @transform_4(%arg0: i32) -> (i32, i32) {
    %c0_i32 = arith.constant 0 : i32
    %c0_i32_0 = arith.constant 0 : i32
    %c0_i32_1 = arith.constant 0 : i32
    return %c0_i32, %c0_i32_0 : i32, i32
  }
  func.func @transform_5(%arg0: i32) -> (i32, i32) {
    %c0_i32 = arith.constant 0 : i32
    %c0_i32_0 = arith.constant 0 : i32
    %c0_i32_1 = arith.constant 0 : i32
    return %c0_i32, %c0_i32_0 : i32, i32
  }
  func.func @transform_6(%arg0: i32) -> (i32, i32, i32) {
    %c0_i32 = arith.constant 0 : i32
    %c0_i32_0 = arith.constant 0 : i32
    %c0_i32_1 = arith.constant 0 : i32
    return %c0_i32, %arg0, %c0_i32_0 : i32, i32, i32
  }
}

module attributes {stable_mosaic.version = 14 : i64} {
  func.func @_tc_layer2_body(%arg0: i32, %arg1: memref<2x2000x128xf32, #tpu.memory_space<vmem>>, %arg2: memref<2x2000x16xf32, #tpu.memory_space<vmem>>, %arg3: memref<2x2000x128xf32, #tpu.memory_space<vmem>>, %arg4: memref<256x256xf32, #tpu.memory_space<vmem>>, %arg5: memref<1x256xf32, #tpu.memory_space<vmem>>, %arg6: memref<256x256xf32, #tpu.memory_space<vmem>>, %arg7: memref<2000x256xf32, #tpu.memory_space<vmem>>) attributes {dimension_semantics = [#tpu.dimension_semantics<arbitrary>], iteration_bounds = array<i64: 5>, scalar_prefetch = 0 : i64, scratch_operands = 0 : i64, tpu.core_type = #tpu.core_type<tc>, window_params = [{transform_indices = @transform_0, window_bounds = array<i64: 2, 2000, 128>}, {transform_indices = @transform_1, window_bounds = array<i64: 2, 2000, 16>}, {transform_indices = @transform_2, window_bounds = array<i64: 2, 2000, 128>}, {pipeline_mode = #tpu.pipeline_mode<synchronous>, transform_indices = @transform_3, window_bounds = array<i64: 256, 256>}, {pipeline_mode = #tpu.pipeline_mode<synchronous>, transform_indices = @transform_4, window_bounds = array<i64: 1, 256>}, {pipeline_mode = #tpu.pipeline_mode<synchronous>, transform_indices = @transform_5, window_bounds = array<i64: 256, 256>}, {transform_indices = @transform_6, window_bounds = array<i64: 2000, 256>}]} {
    %get3A = arith.constant 0 : index
    %get3A_0 = arith.constant 0 : index
    %get3A_1 = arith.constant 0 : index
    %get3A_2 = vector.load %arg2[%get3A, %get3A_0, %get3A_1] : memref<2x2000x16xf32, #tpu.memory_space<vmem>>, vector<1x2000x1xf32>
    %get3A_3 = vector.shape_cast %get3A_2 : vector<1x2000x1xf32> to vector<2000x1xf32>
    %get3A_4 = arith.constant 1 : index
    %get3A_5 = arith.constant 0 : index
    %get3A_6 = arith.constant 0 : index
    %get3A_7 = vector.load %arg2[%get3A_4, %get3A_5, %get3A_6] : memref<2x2000x16xf32, #tpu.memory_space<vmem>>, vector<1x2000x1xf32>
    %get3A_8 = vector.shape_cast %get3A_7 : vector<1x2000x1xf32> to vector<2000x1xf32>
    %add3A = arith.addf %get3A_3, %get3A_8 : vector<2000x1xf32>
    %max3A = arith.constant 1.000000e+00 : f32
    %max3A_9 = vector.broadcast %max3A : f32 to vector<2000x1xf32>
    %max3A_10 = arith.maximumf %add3A, %max3A_9 : vector<2000x1xf32>
    %div3A = arith.constant 1.000000e+00 : f32
    %div3A_11 = vector.broadcast %div3A : f32 to vector<2000x1xf32>
    %div3A_12 = arith.divf %div3A_11, %max3A_10 : vector<2000x1xf32>
    %get3A_13 = arith.constant 0 : index
    %get3A_14 = arith.constant 0 : index
    %get3A_15 = arith.constant 0 : index
    %get3A_16 = vector.load %arg1[%get3A_13, %get3A_14, %get3A_15] : memref<2x2000x128xf32, #tpu.memory_space<vmem>>, vector<1x2000x128xf32>
    %get3A_17 = vector.shape_cast %get3A_16 : vector<1x2000x128xf32> to vector<2000x128xf32>
    %mul3A = vector.broadcast %div3A_12 : vector<2000x1xf32> to vector<2000x128xf32>
    %mul3A_18 = arith.mulf %get3A_17, %mul3A : vector<2000x128xf32>
    %get3A_19 = arith.constant 1 : index
    %get3A_20 = arith.constant 0 : index
    %get3A_21 = arith.constant 0 : index
    %get3A_22 = vector.load %arg1[%get3A_19, %get3A_20, %get3A_21] : memref<2x2000x128xf32, #tpu.memory_space<vmem>>, vector<1x2000x128xf32>
    %get3A_23 = vector.shape_cast %get3A_22 : vector<1x2000x128xf32> to vector<2000x128xf32>
    %mul3A_24 = vector.broadcast %div3A_12 : vector<2000x1xf32> to vector<2000x128xf32>
    %mul3A_25 = arith.mulf %get3A_23, %mul3A_24 : vector<2000x128xf32>
    %get3A_26 = arith.constant 0 : index
    %get3A_27 = arith.constant 0 : index
    %get3A_28 = vector.load %arg4[%get3A_26, %get3A_27] : memref<256x256xf32, #tpu.memory_space<vmem>>, vector<128x256xf32>
    %dot_general3A = arith.constant dense<0.000000e+00> : vector<2000x256xf32>
    %dot_general3A_29 = tpu.matmul %mul3A_18, %get3A_28, %dot_general3A {dimension_numbers = #tpu.dot_dimension_numbers<[1], [0], [0], [1], [0, 0, 1, 1], [], []>, transpose_lhs_hint = false} : vector<2000x128xf32>, vector<128x256xf32>, vector<2000x256xf32> -> vector<2000x256xf32>
    %get3A_30 = arith.constant 128 : index
    %get3A_31 = arith.constant 0 : index
    %get3A_32 = vector.load %arg4[%get3A_30, %get3A_31] : memref<256x256xf32, #tpu.memory_space<vmem>>, vector<128x256xf32>
    %dot_general3A_33 = arith.constant dense<0.000000e+00> : vector<2000x256xf32>
    %dot_general3A_34 = tpu.matmul %mul3A_25, %get3A_32, %dot_general3A_33 {dimension_numbers = #tpu.dot_dimension_numbers<[1], [0], [0], [1], [0, 0, 1, 1], [], []>, transpose_lhs_hint = false} : vector<2000x128xf32>, vector<128x256xf32>, vector<2000x256xf32> -> vector<2000x256xf32>
    %add3A_35 = arith.addf %dot_general3A_29, %dot_general3A_34 : vector<2000x256xf32>
    %get3A_36 = arith.constant 0 : index
    %get3A_37 = arith.constant 0 : index
    %get3A_38 = arith.constant 0 : index
    %get3A_39 = vector.load %arg3[%get3A_36, %get3A_37, %get3A_38] : memref<2x2000x128xf32, #tpu.memory_space<vmem>>, vector<1x2000x128xf32>
    %get3A_40 = vector.shape_cast %get3A_39 : vector<1x2000x128xf32> to vector<2000x128xf32>
    %get3A_41 = arith.constant 0 : index
    %get3A_42 = arith.constant 0 : index
    %get3A_43 = vector.load %arg6[%get3A_41, %get3A_42] : memref<256x256xf32, #tpu.memory_space<vmem>>, vector<128x256xf32>
    %dot_general3A_44 = arith.constant dense<0.000000e+00> : vector<2000x256xf32>
    %dot_general3A_45 = tpu.matmul %get3A_40, %get3A_43, %dot_general3A_44 {dimension_numbers = #tpu.dot_dimension_numbers<[1], [0], [0], [1], [0, 0, 1, 1], [], []>, transpose_lhs_hint = false} : vector<2000x128xf32>, vector<128x256xf32>, vector<2000x256xf32> -> vector<2000x256xf32>
    %add3A_46 = arith.addf %add3A_35, %dot_general3A_45 : vector<2000x256xf32>
    %get3A_47 = arith.constant 1 : index
    %get3A_48 = arith.constant 0 : index
    %get3A_49 = arith.constant 0 : index
    %get3A_50 = vector.load %arg3[%get3A_47, %get3A_48, %get3A_49] : memref<2x2000x128xf32, #tpu.memory_space<vmem>>, vector<1x2000x128xf32>
    %get3A_51 = vector.shape_cast %get3A_50 : vector<1x2000x128xf32> to vector<2000x128xf32>
    %get3A_52 = arith.constant 128 : index
    %get3A_53 = arith.constant 0 : index
    %get3A_54 = vector.load %arg6[%get3A_52, %get3A_53] : memref<256x256xf32, #tpu.memory_space<vmem>>, vector<128x256xf32>
    %dot_general3A_55 = arith.constant dense<0.000000e+00> : vector<2000x256xf32>
    %dot_general3A_56 = tpu.matmul %get3A_51, %get3A_54, %dot_general3A_55 {dimension_numbers = #tpu.dot_dimension_numbers<[1], [0], [0], [1], [0, 0, 1, 1], [], []>, transpose_lhs_hint = false} : vector<2000x128xf32>, vector<128x256xf32>, vector<2000x256xf32> -> vector<2000x256xf32>
    %add3A_57 = arith.addf %add3A_46, %dot_general3A_56 : vector<2000x256xf32>
    %get3A_58 = arith.constant 0 : index
    %get3A_59 = arith.constant 0 : index
    %get3A_60 = vector.load %arg5[%get3A_58, %get3A_59] : memref<1x256xf32, #tpu.memory_space<vmem>>, vector<1x256xf32>
    %add3A_61 = vector.broadcast %get3A_60 : vector<1x256xf32> to vector<2000x256xf32>
    %add3A_62 = arith.addf %add3A_57, %add3A_61 : vector<2000x256xf32>
    %mul3A_63 = arith.mulf %add3A_62, %add3A_62 : vector<2000x256xf32>
    %reduce_sum3A = arith.constant dense<0.000000e+00> : vector<2000xf32>
    %reduce_sum3A_64 = vector.multi_reduction <add>, %mul3A_63, %reduce_sum3A [1] : vector<2000x256xf32> to vector<2000xf32>
    %broadcast_in_dim3A = vector.shape_cast %reduce_sum3A_64 : vector<2000xf32> to vector<2000x1xf32>
    %sqrt3A = math.sqrt %broadcast_in_dim3A : vector<2000x1xf32>
    %max3A_65 = arith.constant 9.99999996E-13 : f32
    %max3A_66 = vector.broadcast %max3A_65 : f32 to vector<2000x1xf32>
    %max3A_67 = arith.maximumf %sqrt3A, %max3A_66 : vector<2000x1xf32>
    %div3A_68 = vector.broadcast %max3A_67 : vector<2000x1xf32> to vector<2000x256xf32>
    %div3A_69 = arith.divf %add3A_62, %div3A_68 : vector<2000x256xf32>
    %swap3A = arith.constant 0 : index
    %swap3A_70 = arith.constant 0 : index
    %swap3A_71 = vector.load %arg7[%swap3A, %swap3A_70] : memref<2000x256xf32, #tpu.memory_space<vmem>>, vector<2000x256xf32>
    tpu.vector_store %arg7[%swap3A, %swap3A_70], %div3A_69 {strides = array<i32>} : memref<2000x256xf32, #tpu.memory_space<vmem>>, vector<2000x256xf32>,
    return
  }
  func.func @transform_0(%arg0: i32) -> (i32, i32, i32) {
    %c0_i32 = arith.constant 0 : i32
    %c0_i32_0 = arith.constant 0 : i32
    %c0_i32_1 = arith.constant 0 : i32
    return %c0_i32, %arg0, %c0_i32_0 : i32, i32, i32
  }
  func.func @transform_1(%arg0: i32) -> (i32, i32, i32) {
    %c0_i32 = arith.constant 0 : i32
    %c0_i32_0 = arith.constant 0 : i32
    %c0_i32_1 = arith.constant 0 : i32
    return %c0_i32, %arg0, %c0_i32_0 : i32, i32, i32
  }
  func.func @transform_2(%arg0: i32) -> (i32, i32, i32) {
    %c0_i32 = arith.constant 0 : i32
    %c0_i32_0 = arith.constant 0 : i32
    %c0_i32_1 = arith.constant 0 : i32
    return %c0_i32, %arg0, %c0_i32_0 : i32, i32, i32
  }
  func.func @transform_3(%arg0: i32) -> (i32, i32) {
    %c0_i32 = arith.constant 0 : i32
    %c0_i32_0 = arith.constant 0 : i32
    %c0_i32_1 = arith.constant 0 : i32
    return %c0_i32, %c0_i32_0 : i32, i32
  }
  func.func @transform_4(%arg0: i32) -> (i32, i32) {
    %c0_i32 = arith.constant 0 : i32
    %c0_i32_0 = arith.constant 0 : i32
    %c0_i32_1 = arith.constant 0 : i32
    return %c0_i32, %c0_i32_0 : i32, i32
  }
  func.func @transform_5(%arg0: i32) -> (i32, i32) {
    %c0_i32 = arith.constant 0 : i32
    %c0_i32_0 = arith.constant 0 : i32
    %c0_i32_1 = arith.constant 0 : i32
    return %c0_i32, %c0_i32_0 : i32, i32
  }
  func.func @transform_6(%arg0: i32) -> (i32, i32) {
    %c0_i32 = arith.constant 0 : i32
    %c0_i32_0 = arith.constant 0 : i32
    return %arg0, %c0_i32 : i32, i32
  }
}

</mosaic_0001>

<sc_bundles>
// kernel: kernel.6.cloned.1.call-start
scs
__scs_entry_jumppad:
0x0: {  	(pc) =	sbr.rel $0x88, $3  }
0x1: {  	(tag) =	ssettag $0x0;
	lr =	simm.s32 $0x1  }
0x2: {  	[smem:$0x3F99] =	sst lr;
	_ =	strace $0xD0000000  }
0x3: {  	_ = 	snop  }
0x4: {  	_ = 	snop  }
0x5: {  	_ = 	snop  }
0x6: {  	_ = 	snop  }
0x7: {  	_ = 	snop  }
__scs_overlays_trampoline_lowered:
0x8: {  	[smem:$0x3FA8] =	sst s0  }
0x9: {  	[smem:$0x3FA9] =	sst s1  }
0xa: {  	[smem:$0x3FAA] =	sst s2  }
0xb: {  	[smem:$0x3FAB] =	sst s3  }
0xc: {  	[smem:$0x3FAC] =	sst s4  }
0xd: {  	[smem:$0x3FAD] =	sst s5  }
0xe: {  	[smem:$0x3FAE] =	sst s6  }
0xf: {  	[smem:$0x3FAF] =	sst s7  }
0x10: {  	[smem:$0x3FB0] =	sst s8  }
0x11: {  	[smem:$0x3FB1] =	sst s9;
	s0 =	simm.s32 @!p0 $0x0  }
0x12: {  	s1 =	sld [smem:$0x3F97];
	s0 =	simm.s32 @p0 $0x1  }
0x13: {  	[smem:$0x3FB2] =	sst s0;
	s0 =	simm.s32 @!p1 $0x0  }
0x14: {  	s2 =	sld [smem:$0x3F96];
	s0 =	simm.s32 @p1 $0x1  }
0x15: {  	[smem:$0x3FB3] =	sst s0;
	s0 =	simm.s32 @!p2 $0x0  }
0x16: {  	s3 =	sld [smem:$0x3FDB];
	s0 =	simm.s32 @p2 $0x1  }
0x17: {  	s4 =	simm.s32 $0x1BF5;
	[smem:$0x3FB5] =	sst s0  }
0x18: {  	s0 =	sld [smem:$0x3F98];
	_ =	swait.ge [sflag:s4], $0x0  }
0x19: {  	s7 =	sld [smem:$0x3F99]  }
0x1a: {  	s8 =	sadd.s32 $0xFFFFE003, lr  }
0x1b: {  	s9 =	sadd.s32 $0xFFFFFEF7, lr;
	s5 =	simm.s32 $0xFFFFFFFF;
	p2 =	slt.u32 s8, $0xFFFFF086  }
0x1c: {  	p1 =	slt.u32 s9, $0xF7A;
	s5 =	simm.s32 @!p2 $0x0  }
0x1d: {  	s5 =	simm.s32 @p1 $0x1;
	p0 =	seq.s32 s7, s2  }
0x1e: {  	s7 =	smul.u32 @!p0 $0xF7A, s2;
	p2 =	seq.s32 @!p0 s5, $0x0  }
0x1f: {  	s9 =	smul.u32 $0xF7A, s1;
	s8 =	simm.s32 @!p0 $0x1BF5;
	p2 =	por !p2, p0  }
0x20: {  	[sflag:s8] =	ssyncset.s32 @!p0 $0xFFFFF086;
	s6 =	sadd.s32 @!p0 s3, s7;
	s7 =	simm.s32 @!p0 $0x108  }
0x21: {  	s3 =	sadd.s32 s3, s9;
	s6 =	sadd.s32 @!p0 $0x88, s6;
	s7 =	simm.s32 @p2 $0x1082  }
0x22: {  	[simem:s7], [sflag:s8] =	dma.local @!p0 [hbm:s6], $0xF7A  }
0x23: {  	s9 =	sor.u32 $0xD0000000, s2;
	s6 =	simm.s32 $0x108;
	_ =	swait.ge @!p0 [sflag:s8], $0x0  }
0x24: {  	s3 =	sadd.s32 $0x88, s3;
	s6 =	simm.s32 @!p1 $0x1082;
	[sflag:s4] =	ssyncset.s32 $0xFFFFF086  }
0x25: {  	[simem:s6], [sflag:s4] =	dma.local [hbm:s3], $0xF7A  }
0x26: {  	[smem:$0x3F99] =	sst s1;
	(tag) =	ssettag s2;
	_ =	strace s9  }
0x27: {  	s1 =	sld [smem:$0x3FA9]  }
0x28: {  	s2 =	sld [smem:$0x3FAA]  }
0x29: {  	s4 =	sld [smem:$0x3FAC]  }
0x2a: {  	p0 =	seq.s32 s5, $0x0;
	s5 =	sld [smem:$0x3FAD]  }
0x2b: {  	s6 =	sld [smem:$0x3FAE]  }
0x2c: {  	s7 =	sld [smem:$0x3FAF]  }
0x2d: {  	s3 =	simm.s32 $0x108;
	s8 =	sld [smem:$0x3FB0]  }
0x2e: {  	s3 =	simm.s32 @!p0 $0x1082;
	s9 =	sld [smem:$0x3FB1]  }
0x2f: {  	lr =	sadd.s32 s0, s3;
	s0 =	sld [smem:$0x3FA8]  }
0x30: {  	s3 =	sld [smem:$0x3FAB]  }
0x31: {  	[smem:$0x3FB4] =	sst s10  }
0x32: {  	s10 =	sld [smem:$0x3FB2];
	_ =	sdelay $0x3  }
0x33: {  	p0 =	seq.s32 s10, $0x1;
	s10 =	sld [smem:$0x3FB4];
	_ =	sdelay $0x3  }
0x34: {  	[smem:$0x3FB4] =	sst s10  }
0x35: {  	s10 =	sld [smem:$0x3FB3];
	_ =	sdelay $0x3  }
0x36: {  	p1 =	seq.s32 s10, $0x1;
	s10 =	sld [smem:$0x3FB4];
	_ =	sdelay $0x3  }
0x37: {  	[smem:$0x3FB4] =	sst s10  }
0x38: {  	s10 =	sld [smem:$0x3FB5]  }
0x39: {  	_ = 	snop;
	(pc) =	sbr.ind lr, $3  }
0x3a: {  	_ = 	snop  }
0x3b: {  	_ = 	snop  }
0x3c: {  	p2 =	seq.s32 s10, $0x1;
	s10 =	sld [smem:$0x3FB4]  }
0x3d: {  	_ =	shalt  }
0x3e: {  	_ =	shalt  }
0x3f: {  	_ =	shalt  }
0x40: {  	_ =	shalt  }
0x41: {  	_ =	shalt  }
0x42: {  	_ =	shalt  }
0x43: {  	_ =	shalt  }
0x44: {  	_ =	shalt  }
0x45: {  	_ =	shalt  }
0x46: {  	_ =	shalt  }
0x47: {  	_ =	shalt  }
0x48: {  	_ =	shalt  }
0x49: {  	_ =	shalt  }
0x4a: {  	_ =	shalt  }
0x4b: {  	_ =	shalt  }
0x4c: {  	_ =	shalt  }
0x4d: {  	_ =	shalt  }
0x4e: {  	_ =	shalt  }
0x4f: {  	_ =	shalt  }
0x50: {  	_ =	shalt  }
0x51: {  	_ =	shalt  }
0x52: {  	_ =	shalt  }
0x53: {  	_ =	shalt  }
0x54: {  	_ =	shalt  }
0x55: {  	_ =	shalt  }
0x56: {  	_ =	shalt  }
0x57: {  	_ =	shalt  }
0x58: {  	_ =	shalt  }
0x59: {  	_ =	shalt  }
0x5a: {  	_ =	shalt  }
0x5b: {  	_ =	shalt  }
0x5c: {  	_ =	shalt  }
0x5d: {  	_ =	shalt  }
0x5e: {  	_ =	shalt  }
0x5f: {  	_ =	shalt  }
0x60: {  	_ =	shalt  }
0x61: {  	_ =	shalt  }
0x62: {  	_ =	shalt  }
0x63: {  	_ =	shalt  }
0x64: {  	_ =	shalt  }
0x65: {  	_ =	shalt  }
0x66: {  	_ =	shalt  }
0x67: {  	_ =	shalt  }
0x68: {  	_ =	shalt  }
0x69: {  	_ =	shalt  }
0x6a: {  	_ =	shalt  }
0x6b: {  	_ =	shalt  }
0x6c: {  	_ =	shalt  }
0x6d: {  	_ =	shalt  }
0x6e: {  	_ =	shalt  }
0x6f: {  	_ =	shalt  }
0x70: {  	_ =	shalt  }
0x71: {  	_ =	shalt  }
0x72: {  	_ =	shalt  }
0x73: {  	_ =	shalt  }
0x74: {  	_ =	shalt  }
0x75: {  	_ =	shalt  }
0x76: {  	_ =	shalt  }
0x77: {  	_ =	shalt  }
0x78: {  	_ =	shalt  }
0x79: {  	_ =	shalt  }
0x7a: {  	_ =	shalt  }
0x7b: {  	_ =	shalt  }
0x7c: {  	_ =	shalt  }
0x7d: {  	_ =	shalt  }
0x7e: {  	_ =	shalt  }
0x7f: {  	_ =	shalt  }
0x80: {  	_ =	shalt  }
0x81: {  	_ =	shalt  }
0x82: {  	_ =	shalt  }
0x83: {  	_ =	shalt  }
0x84: {  	_ =	shalt  }
0x85: {  	_ =	shalt  }
0x86: {  	_ =	shalt  }
0x87: {  	_ =	shalt  }
.Lfunc_end0:
.L_simem_size_0:
called_computation_lowered:
.L_overlay_start_0:
0x88: {  	s2 =	sld [smem:$0x3FD9]  }
0x89: {  	s3 =	sld [smem:$0x3FFE];
	_ =	sdelay $0x1  }
0x8a: {  	s1 =	srdreg.scid  }
0x8b: {  	s0 =	sand.u32 $0x1, s1  }
0x8c: {  	s17 =	sshll.u32 s0, $0xA;
	s2 =	sadd.s32 s3, s2  }
0x8d: {  	s2 =	sadd.s32 s2, s17  }
0x8e: {  	[smem:$0x3FC0] =	sst s2  }
0x8f: {  	_ = 	snop  }
0x90: {  	s2 =	sld [smem:$0x3FC9]  }
0x91: {  	s18 =	sld [smem:$0x3FD0];
	(tm) =	ssettm $0x1  }
0x92: {  	s4 =	sld [smem:$0x3FFB];
	_ =	sdelay $0x3  }
0x93: {  	_ =	strace s4  }
0x94: {  	s4 =	sld [smem:$0x3FFC];
	_ =	sdelay $0x3  }
0x95: {  	_ =	strace s4  }
0x96: {  	s4 =	sld [smem:$0x3FFD];
	_ =	sdelay $0x3  }
0x97: {  	_ =	strace s4  }
0x98: {  	_ =	strace $0x8FFFFFFF  }
0x99: {  	s19 =	sld [smem:$0x3FDB];
	_ =	sdelay $0x1  }
0x9a: {  	s5 =	simm.s32 $_scs_section_size  }
0x9b: {  	s6 =	simm.s32 $_size__tile_overlayer_lowered;
	s7 =	simm.s32 $_tile_overlayer_lowered  }
0x9c: {  	s22 =	simm.s32 $0x1BFF;
	s21 =	sshll.u32 s7, $0x1;
	s4 =	sadd.s32 s5, s19  }
0x9d: {  	s8 =	simm.s32 $0x0;
	s20 =	sshll.u32 s6, $0x1;
	s6 =	sadd.s32 s21, s4  }
0x9e: {  	[timem:s8], [sflag:s22] =	dma.local [hbm:s6], s20  }
0x9f: {  	_ =	swait.ge [sflag:s22], s20  }
0xa0: {  	s5 =	ssub.s32 $0x0, s20;
	[sflag:s22] =	ssyncset.done $0x0  }
0xa1: {  	[sflag:s22] =	ssyncadd.s32 s5;
	_ =	sdelay $0x1  }
0xa2: {  	s23 =	simm.s32 $0x1B8B  }
0xa3: {  	_ =	swait.ge [sflag:s23], $0x1  }
0xa4: {  	[sflag:s23] =	ssyncset.done $0x0  }
0xa5: {  	s25 =	simm.s32 $0x1B8E;
	s24 =	sld [smem:$0x3FFE];
	[sflag:s23] =	ssyncadd.s32 $0xFFFFFFFF  }
0xa6: {  	s26 =	simm.s32 $execute0_lowered;
	[smem:$0x3FD2] =	sst s25  }
0xa7: {  	s6 =	sshll.u32 s26, $0x1;
	_ =	strace $0x80000046;
	[dreg:$0x1] =	wrdreg $0xFFFFFFFF  }
0xa8: {  	s28 =	simm.s32 $_size_execute0_lowered;
	s4 =	sadd.s32 s4, s6;
	[dreg:$0x0] =	wrdreg $0x0  }
0xa9: {  	s6 =	sshll.u32 s28, $0x1;
	[dreg:$0x2] =	wrdreg s4  }
0xaa: {  	[dreg:$0x3] =	wrdreg s6  }
0xab: {  	[dreg:$0x4] =	wrdreg $0xC0  }
0xac: {  	_ =	task [dreg:s8], $0x5FFFF  }
0xad: {  	[dreg:$0x1] =	wrdreg $0xFFFFFFFF  }
0xae: {  	[dreg:$0x0] =	wrdreg $0x60  }
0xaf: {  	[dreg:$0x2] =	wrdreg s2  }
0xb0: {  	[dreg:$0x3] =	wrdreg s18  }
0xb1: {  	[dreg:$0x4] =	wrdreg s24  }
0xb2: {  	[dreg:$0x5] =	wrdreg $0x98D00  }
0xb3: {  	[dreg:$0x6] =	wrdreg $0x1D1500  }
0xb4: {  	[dreg:$0x7] =	wrdreg $0x9  }
0xb5: {  	_ =	task.clear_ibuf [dreg:s8], $0x8FFFF;
	_ =	strace $0x90000046  }
0xb6: {  	s29 =	simm.s32 $0x9;
	_ =	strace $0x80000048  }
0xb7: {  	_ =	swait.ge [sflag:s29], $0x1  }
0xb8: {  	[sflag:s29] =	ssyncadd.s32 $0xFFFFFFFF  }
0xb9: {  	_ =	strace $0x90000048  }
0xba: {  	_ =	sfence  }
0xbb: {  	s30 =	sld [smem:$0x0];
	_ =	sdelay $0x2  }
0xbc: {  	s31 =	sshll.u32 s1, $0xD;
	s1 =	sshrl.u32 s1, $0x2  }
0xbd: {  	s3 =	sand.u32 $0x4000, s31;
	s1 =	sadd.s32 s1, s30  }
0xbe: {  	s0 =	sor.u32 s3, s0;
	s1 =	sshll.u32 s1, $0x11  }
0xbf: {  	s0 =	sor.u32 s1, s0  }
0xc0: {  	s0 =	sadd.s32 $0x8F2B, s0  }
0xc1: {  	[sflag:s0] =	ssyncadd.remote.s32 $0x1  }
0xc2: {  	_ =	sfence.sel $0xFFFF  }
0xc3: {  	[dreg:$0x0] =	wrdreg $0xFFFFFFFF;
	(pc) =	sbr.abs _section_cstart, $3  }
0xc4: {  	[dreg:$0x1] =	wrdreg $0xFFFFFFFF  }
0xc5: {  	_ =	task.clear_ibuf [dreg:s8], $0x2FFFF;
	_ =	strace $0x9FFFFFFF  }
0xc6: {  	(tm) =	ssettm $0x7FFFFFFF  }
0xc7: {  	_ =	shalt  }
tec
execute0_lowered:
.L_overlay_start_1:
0x0: {  	(tag) =	ssettag $0x1  }
0x1: {  	s0 =	rddreg [dreg:$0x0]  }
0x2: {  	s2 =	rddreg [dreg:$0x1]  }
0x3: {  	s1 =	rddreg [dreg:$0x2]  }
0x4: {  	s4 =	rddreg [dreg:$0x3];
	s3 =	srdreg.scid  }
0x5: {  	s6 =	stileid.u32;
	s5 =	rddreg [dreg:$0x4]  }
0x6: {  	s7 =	simm.s32 $0x0;
	s19 =	simm.s32 $0x9100;
	s20 =	simm.s32 $0xA00  }
0x7: {  	s21 =	simm.s32 $0x7D;
	s22 =	simm.s32 $0x1400;
	s23 =	simm.s32 $0x80  }
0x8: {  	s24 =	simm.s32 $0x5280;
	s25 =	simm.s32 $0x1;
	s28 =	simm.s32 $0x1300  }
0x9: {  	s29 =	simm.s32 $0x1380;
	s30 =	simm.s32 $0x0;
	s11 =	smul.u32 $0x13880, s6  }
0xa: {  	s3 =	sand.u32 $0x1, s3;
	[smem:$0x7FF] =	sst s7;
	s12 =	smul.u32 $0x2710, s6  }
0xb: {  	s7 =	sadd.s32 $0x2800, s1;
	s8 =	sadd.s32 $0xD000, s1;
	s16 =	smul.u32 $0x2800, s6  }
0xc: {  	s9 =	sadd.s32 $0xCA00, s1;
	s31 =	sshll.u32 s6, $0x6;
	s10 =	smul.u32 $0x138800, s3  }
0xd: {  	_ =	strace $0x80000047;
	s13 =	smul.u32 $0x27100, s3;
	s15 =	ssub.s32 $0x2, s3  }
0xe: {  	s3 =	smul.u32 $0x28000, s3;
	s26 =	sshrl.u32 s15, $0x1;
	s17 =	sadd.s32 s11, s4  }
0xf: {  	s18 =	sadd.s32 s12, s5;
	s14 =	sadd.s32 s11, s10;
	s10 =	sadd.s32 $0xC800, s1  }
0x10: {  	s13 =	sadd.s32 s12, s13;
	s15 =	ssub.s32 s15, s26;
	s11 =	sor.u32 $0x1C03, s31  }
0x11: {  	s12 =	sadd.s32 s16, s3;
	s16 =	sshrl.u32 s17, $0x3;
	s17 =	simm.s32 $0x3  }
0x12: {  	s18 =	sshrl.u32 s18, $0x3;
	s14 =	sshrl.u32 s14, $0x3;
	s13 =	sshrl.u32 s13, $0x3  }
0x13: {  	s26 =	simm.s32 $0x2;
	s14 =	sadd.s32 s14, s1;
	s1 =	sadd.s32 s13, s1  }
0x14: {  	s15 =	smax.u32 s15, $0x1;
	s13 =	sadd.s32 $0x19600, s14;
	s14 =	sadd.s32 $0xF800, s1  }
.LBB2_1:
0x15: {  	[spmem:s16], [sflag:s11] =	dma.local [hbm:s8], $0x2710  }
0x16: {  	_ =	swait.ge [sflag:s17], $0x2710  }
0x17: {  	[sflag:s17] =	ssyncset.done $0x0  }
0x18: {  	[sflag:s17] =	ssyncadd.s32 $0xFFFFD8F0  }
0x19: {  	[spmem:s18], [sflag:s11] =	dma.local [hbm:s9], $0x4E2  }
0x1a: {  	_ =	swait.ge [sflag:s17], $0x4E2  }
0x1b: {  	[sflag:s17] =	ssyncset.done $0x0  }
0x1c: {  	s1 =	simm.s32 $0x0;
	[sflag:s17] =	ssyncadd.s32 $0xFFFFFB1E  }
0x1d: {  	[tilespmem:s19], [sflag:$0x3] =	stream.linear.gather [hbm4b:s10+s1], $0x7D0, $0x38;
	[tilespmem:$0x1F860] =	vst v63  }
0x1e: {  	_ =	swait.ge [sflag:s17], $0x7D0  }
0x1f: {  	[sflag:s17] =	ssyncset.done $0x0  }
0x20: {  	[sflag:s17] =	ssyncadd.s32 $0xFFFFF830  }
0x21: {  	s31 =	simm.s32 $0x0;
	[bflag:$0x0] =	sbarrier.arrive $0xFFFF  }
.LBB2_2:
0x22: {  	s1 =	smul.u32 $0xA00, s31;
	_ =	sdelay $0x1  }
0x23: {  	s1 =	sadd.s32 s1, s12  }
0x24: {  	s1 =	sshrl.u32 s1, $0x3  }
0x25: {  	s6 =	simm.s32 $0x0;
	s3 =	sadd.s32 s2, s1  }
0x26: {  	[tilespmem:s6], [sflag:$0x3] =	stream.linear.gather [hbm4b:s3+s6], $0xA00, $0x38;
	[tilespmem:$0x1F860] =	vst v63  }
0x27: {  	_ =	swait.ge [sflag:s17], $0xA00  }
0x28: {  	[sflag:s17] =	ssyncset.done $0x0  }
0x29: {  	s1 =	sadd.s32 s7, s1;
	[sflag:s17] =	ssyncadd.s32 $0xFFFFF600  }
0x2a: {  	[tilespmem:s20], [sflag:$0x3] =	stream.linear.gather [hbm4b:s1+s6], $0xA00, $0x38;
	[tilespmem:$0x1F860] =	vst v63  }
0x2b: {  	_ =	swait.ge [sflag:s17], $0xA00  }
0x2c: {  	[sflag:s17] =	ssyncset.done $0x0  }
0x2d: {  	[sflag:s17] =	ssyncadd.s32 $0xFFFFF600  }
0x2e: {  	[tilespmem:s22], [sflag:$0x1] =	stream.indirect.gather [hbm4b:s0+s21], $0x80, s6, s21, $0xb8;
	[tilespmem:$0x1F860] =	vst v63  }
0x2f: {  	_ = 	snop  }
0x30: {  	[tilespmem:s24], [sflag:$0x2] =	stream.indirect.gather [hbm4b:s0+s21], $0x80, s23, s21, $0xb8;
	[tilespmem:$0x1F860] =	vst v63  }
0x31: {  	_ =	swait.ge [sflag:s25], $0x3E80  }
0x32: {  	[sflag:s25] =	ssyncset.done $0x0  }
0x33: {  	s6 =	simm.s32 $0xA00;
	[sflag:s25] =	ssyncadd.s32 $0xFFFFC180  }
0x34: {  	[spmem:s4] =	stream.indirect.scatter.add.f32 [tilespmem:s22], [sflag:$0x3], $0x80, s6, s21, $0xb8;
	[tilespmem:$0x1F860] =	vst v63  }
0x35: {  	_ =	swait.ge [sflag:s17], $0x3E80  }
0x36: {  	[sflag:s17] =	ssyncset.done $0x0  }
0x37: {  	[sflag:s17] =	ssyncadd.s32 $0xFFFFC180  }
0x38: {  	[spmem:s5] =	stream.indirect.scatter.add.f32 [tilespmem:s19], [sflag:$0x3], $0x10, s6, s21, $0xb8;
	[tilespmem:$0x1F860] =	vst v63  }
0x39: {  	_ =	swait.ge [sflag:s17], $0x7D0  }
0x3a: {  	[sflag:s17] =	ssyncset.done $0x0  }
0x3b: {  	s3 =	simm.s32 $0x100;
	[sflag:s17] =	ssyncadd.s32 $0xFFFFF830  }
0x3c: {  	[tilespmem:s22], [sflag:$0x1] =	stream.indirect.gather [hbm4b:s0+s21], $0x80, s3, s21, $0xb8;
	[tilespmem:$0x1F860] =	vst v63  }
0x3d: {  	_ =	swait.ge [sflag:s26], $0x3E80  }
0x3e: {  	[sflag:s26] =	ssyncset.done $0x0  }
0x3f: {  	s6 =	simm.s32 $0xA80;
	[sflag:s26] =	ssyncadd.s32 $0xFFFFC180  }
0x40: {  	[spmem:s4] =	stream.indirect.scatter.add.f32 [tilespmem:s24], [sflag:$0x3], $0x80, s6, s21, $0xb8;
	[tilespmem:$0x1F860] =	vst v63  }
0x41: {  	_ =	swait.ge [sflag:s17], $0x3E80  }
0x42: {  	[sflag:s17] =	ssyncset.done $0x0  }
0x43: {  	[sflag:s17] =	ssyncadd.s32 $0xFFFFC180  }
0x44: {  	[spmem:s5] =	stream.indirect.scatter.add.f32 [tilespmem:s19], [sflag:$0x3], $0x10, s6, s21, $0xb8;
	[tilespmem:$0x1F860] =	vst v63  }
0x45: {  	_ =	swait.ge [sflag:s17], $0x7D0  }
0x46: {  	[sflag:s17] =	ssyncset.done $0x0  }
0x47: {  	s1 =	simm.s32 $0x180;
	s3 =	simm.s32 $0x400;
	[sflag:s17] =	ssyncadd.s32 $0xFFFFF830  }
.LBB2_3:
0x48: {  	[tilespmem:s24], [sflag:$0x2] =	stream.indirect.gather [hbm4b:s0+s21], $0x80, s1, s21, $0xb8;
	[tilespmem:$0x1F860] =	vst v63  }
0x49: {  	s1 =	smov.u32 s3  }
0x4a: {  	p0 =	sne.s32 s3, $0x2000;
	s3 =	sadd.s32 $0x400, s3;
	_ =	swait.ge [sflag:s25], $0x3E80  }
0x4b: {  	s1 =	sshra.s32 s1, $0x2;
	[sflag:s25] =	ssyncset.done $0x0  }
0x4c: {  	s6 =	sadd.s32 $0xA00, s1;
	[sflag:s25] =	ssyncadd.s32 $0xFFFFC180  }
0x4d: {  	[spmem:s4] =	stream.indirect.scatter.add.f32 [tilespmem:s22], [sflag:$0x3], $0x80, s6, s21, $0xb8;
	[tilespmem:$0x1F860] =	vst v63  }
0x4e: {  	_ =	swait.ge [sflag:s17], $0x3E80  }
0x4f: {  	[sflag:s17] =	ssyncset.done $0x0  }
0x50: {  	[sflag:s17] =	ssyncadd.s32 $0xFFFFC180  }
0x51: {  	[spmem:s5] =	stream.indirect.scatter.add.f32 [tilespmem:s19], [sflag:$0x3], $0x10, s6, s21, $0xb8;
	[tilespmem:$0x1F860] =	vst v63  }
0x52: {  	_ =	swait.ge [sflag:s17], $0x7D0  }
0x53: {  	[sflag:s17] =	ssyncset.done $0x0  }
0x54: {  	s6 =	sadd.s32 $0x100, s1;
	[sflag:s17] =	ssyncadd.s32 $0xFFFFF830  }
0x55: {  	[tilespmem:s22], [sflag:$0x1] =	stream.indirect.gather [hbm4b:s0+s21], $0x80, s6, s21, $0xb8;
	[tilespmem:$0x1F860] =	vst v63  }
0x56: {  	_ =	swait.ge [sflag:s26], $0x3E80  }
0x57: {  	[sflag:s26] =	ssyncset.done $0x0  }
0x58: {  	s6 =	sadd.s32 $0xA80, s1;
	[sflag:s26] =	ssyncadd.s32 $0xFFFFC180  }
0x59: {  	[spmem:s4] =	stream.indirect.scatter.add.f32 [tilespmem:s24], [sflag:$0x3], $0x80, s6, s21, $0xb8;
	[tilespmem:$0x1F860] =	vst v63  }
0x5a: {  	_ =	swait.ge [sflag:s17], $0x3E80  }
0x5b: {  	[sflag:s17] =	ssyncset.done $0x0  }
.Ltmp0:
0x5c: {  	[sflag:s17] =	ssyncadd.s32 $0xFFFFC180;
	(pc) =	sbr.rel @p0 .LBB2_3-.Ltmp0, $4  }
0x5d: {  	[spmem:s5] =	stream.indirect.scatter.add.f32 [tilespmem:s19], [sflag:$0x3], $0x10, s6, s21, $0xb8;
	[tilespmem:$0x1F860] =	vst v63  }
0x5e: {  	_ =	swait.ge [sflag:s17], $0x7D0  }
0x5f: {  	[sflag:s17] =	ssyncset.done $0x0  }
0x60: {  	s1 =	sadd.s32 $0x180, s1;
	[sflag:s17] =	ssyncadd.s32 $0xFFFFF830  }
0x61: {  	[tilespmem:s24], [sflag:$0x2] =	stream.indirect.gather [hbm4b:s0+s21], $0x80, s1, s21, $0xb8;
	[tilespmem:$0x1F860] =	vst v63  }
0x62: {  	_ =	swait.ge [sflag:s25], $0x3E80  }
0x63: {  	[sflag:s25] =	ssyncset.done $0x0  }
0x64: {  	[sflag:s25] =	ssyncadd.s32 $0xFFFFC180  }
0x65: {  	[spmem:s4] =	stream.indirect.scatter.add.f32 [tilespmem:s22], [sflag:$0x3], $0x80, s28, s21, $0xb8;
	[tilespmem:$0x1F860] =	vst v63  }
0x66: {  	_ =	swait.ge [sflag:s17], $0x3E80  }
0x67: {  	[sflag:s17] =	ssyncset.done $0x0  }
0x68: {  	[sflag:s17] =	ssyncadd.s32 $0xFFFFC180  }
0x69: {  	[spmem:s5] =	stream.indirect.scatter.add.f32 [tilespmem:s19], [sflag:$0x3], $0x10, s28, s21, $0xb8;
	[tilespmem:$0x1F860] =	vst v63  }
0x6a: {  	_ =	swait.ge [sflag:s17], $0x7D0  }
0x6b: {  	[sflag:s17] =	ssyncset.done $0x0  }
0x6c: {  	[sflag:s17] =	ssyncadd.s32 $0xFFFFF830  }
0x6d: {  	_ =	swait.ge [sflag:s26], $0x3E80  }
0x6e: {  	[sflag:s26] =	ssyncset.done $0x0  }
0x6f: {  	[sflag:s26] =	ssyncadd.s32 $0xFFFFC180  }
0x70: {  	[spmem:s4] =	stream.indirect.scatter.add.f32 [tilespmem:s24], [sflag:$0x3], $0x80, s29, s21, $0xb8;
	[tilespmem:$0x1F860] =	vst v63  }
0x71: {  	s31 =	sadd.s32 $0x1, s31;
	_ =	swait.ge [sflag:s17], $0x3E80  }
0x72: {  	p0 =	sne.s32 s31, $0x4;
	[sflag:s17] =	ssyncset.done $0x0  }
.Ltmp1:
0x73: {  	[sflag:s17] =	ssyncadd.s32 $0xFFFFC180;
	(pc) =	sbr.rel @p0 .LBB2_2-.Ltmp1, $4  }
0x74: {  	[spmem:s5] =	stream.indirect.scatter.add.f32 [tilespmem:s19], [sflag:$0x3], $0x10, s29, s21, $0xb8;
	[tilespmem:$0x1F860] =	vst v63  }
0x75: {  	_ =	swait.ge [sflag:s17], $0x7D0  }
0x76: {  	[sflag:s17] =	ssyncset.done $0x0  }
0x77: {  	[sflag:s17] =	ssyncadd.s32 $0xFFFFF830  }
0x78: {  	[bflag:$0x0] =	sbarrier.arrive $0xFFFF  }
0x79: {  	[hbm:s13], [sflag:s11] =	dma.local [spmem:s16], $0x2710  }
0x7a: {  	s30 =	sadd.s32 $0x1, s30;
	_ =	swait.ge [sflag:s17], $0x2710  }
0x7b: {  	p0 =	sne.s32 s30, s15;
	[sflag:s17] =	ssyncset.done $0x0  }
.Ltmp2:
0x7c: {  	[sflag:s17] =	ssyncadd.s32 $0xFFFFD8F0;
	(pc) =	sbr.rel @p0 .LBB2_1-.Ltmp2, $4  }
0x7d: {  	[hbm:s14], [sflag:s11] =	dma.local [spmem:s18], $0x4E2  }
0x7e: {  	_ =	swait.ge [sflag:s17], $0x4E2  }
0x7f: {  	[sflag:s17] =	ssyncset.done $0x0  }
0x80: {  	[sflag:s17] =	ssyncadd.s32 $0xFFFFFB1E  }
0x81: {  	_ =	sfence.sel $0x180000  }
0x82: {  	[bflag:$0x0] =	sbarrier.arrive $0xFFFF  }
0x83: {  	_ =	strace $0x90000047  }
0x84: {  	s0 =	stileid.u32;
	[bflag:$0x2] =	sbarrier.arrive $0xFFFF  }
0x85: {  	p0 =	sne.s32 s0, $0x0;
	s0 =	rddreg [dreg:$0x5]  }
0x86: {  	s0 =	sadd.s32 @!p0 $0x100000, s0  }
0x87: {  	[sflag:s0] =	ssyncadd.tile.s32 @!p0 $0x1;
	_ =	shalt  }
.Lfunc_end2:
_tile_overlayer_lowered:
.L_overlay_start_2:
0x88: {  	(tag) =	ssettag $0x2  }
0x89: {  	s0 =	rddreg [dreg:$0x0];
	s2 =	stileid.u32  }
0x8a: {  	s1 =	rddreg [dreg:$0x1];
	p0 =	sne.s32 s2, $0x0  }
0x8b: {  	s3 =	rddreg [dreg:$0x2];
	[bflag:$0x3] =	sbarrier.arrive $0xFFFF;
	s2 =	simm.s32 @!p0 $0x1C03  }
0x8c: {  	[timem:s3], [sflag:s2] =	dma.local @!p0 [hbm:s0], s1  }
0x8d: {  	s0 =	simm.s32 @!p0 $0x3  }
0x8e: {  	_ =	swait.ge @!p0 [sflag:s0], s1  }
0x8f: {  	s1 =	ssub.s32 @!p0 $0x0, s1;
	[sflag:s0] =	ssyncset.done @!p0 $0x0  }
0x90: {  	[sflag:s0] =	ssyncadd.s32 @!p0 s1  }
0x91: {  	[bflag:$0x3] =	sbarrier.arrive $0xFFFF  }
0x92: {  	_ =	shalt  }

// kernel: kernel.9.cloned.1.call-start
scs
__scs_entry_jumppad:
0x0: {  	(pc) =	sbr.rel $0x88, $3  }
0x1: {  	(tag) =	ssettag $0x0;
	lr =	simm.s32 $0x1  }
0x2: {  	[smem:$0x3F99] =	sst lr;
	_ =	strace $0xD0000000  }
0x3: {  	_ = 	snop  }
0x4: {  	_ = 	snop  }
0x5: {  	_ = 	snop  }
0x6: {  	_ = 	snop  }
0x7: {  	_ = 	snop  }
__scs_overlays_trampoline_lowered:
0x8: {  	[smem:$0x3FA8] =	sst s0  }
0x9: {  	[smem:$0x3FA9] =	sst s1  }
0xa: {  	[smem:$0x3FAA] =	sst s2  }
0xb: {  	[smem:$0x3FAB] =	sst s3  }
0xc: {  	[smem:$0x3FAC] =	sst s4  }
0xd: {  	[smem:$0x3FAD] =	sst s5  }
0xe: {  	[smem:$0x3FAE] =	sst s6  }
0xf: {  	[smem:$0x3FAF] =	sst s7  }
0x10: {  	[smem:$0x3FB0] =	sst s8  }
0x11: {  	[smem:$0x3FB1] =	sst s9;
	s0 =	simm.s32 @!p0 $0x0  }
0x12: {  	s1 =	sld [smem:$0x3F97];
	s0 =	simm.s32 @p0 $0x1  }
0x13: {  	[smem:$0x3FB2] =	sst s0;
	s0 =	simm.s32 @!p1 $0x0  }
0x14: {  	s2 =	sld [smem:$0x3F96];
	s0 =	simm.s32 @p1 $0x1  }
0x15: {  	[smem:$0x3FB3] =	sst s0;
	s0 =	simm.s32 @!p2 $0x0  }
0x16: {  	s3 =	sld [smem:$0x3FDB];
	s0 =	simm.s32 @p2 $0x1  }
0x17: {  	s4 =	simm.s32 $0x1BF5;
	[smem:$0x3FB5] =	sst s0  }
0x18: {  	s0 =	sld [smem:$0x3F98];
	_ =	swait.ge [sflag:s4], $0x0  }
0x19: {  	s7 =	sld [smem:$0x3F99]  }
0x1a: {  	s8 =	sadd.s32 $0xFFFFE003, lr  }
0x1b: {  	s9 =	sadd.s32 $0xFFFFFEF7, lr;
	s5 =	simm.s32 $0xFFFFFFFF;
	p2 =	slt.u32 s8, $0xFFFFF086  }
0x1c: {  	p1 =	slt.u32 s9, $0xF7A;
	s5 =	simm.s32 @!p2 $0x0  }
0x1d: {  	s5 =	simm.s32 @p1 $0x1;
	p0 =	seq.s32 s7, s2  }
0x1e: {  	s7 =	smul.u32 @!p0 $0xF7A, s2;
	p2 =	seq.s32 @!p0 s5, $0x0  }
0x1f: {  	s9 =	smul.u32 $0xF7A, s1;
	s8 =	simm.s32 @!p0 $0x1BF5;
	p2 =	por !p2, p0  }
0x20: {  	[sflag:s8] =	ssyncset.s32 @!p0 $0xFFFFF086;
	s6 =	sadd.s32 @!p0 s3, s7;
	s7 =	simm.s32 @!p0 $0x108  }
0x21: {  	s3 =	sadd.s32 s3, s9;
	s6 =	sadd.s32 @!p0 $0x88, s6;
	s7 =	simm.s32 @p2 $0x1082  }
0x22: {  	[simem:s7], [sflag:s8] =	dma.local @!p0 [hbm:s6], $0xF7A  }
0x23: {  	s9 =	sor.u32 $0xD0000000, s2;
	s6 =	simm.s32 $0x108;
	_ =	swait.ge @!p0 [sflag:s8], $0x0  }
0x24: {  	s3 =	sadd.s32 $0x88, s3;
	s6 =	simm.s32 @!p1 $0x1082;
	[sflag:s4] =	ssyncset.s32 $0xFFFFF086  }
0x25: {  	[simem:s6], [sflag:s4] =	dma.local [hbm:s3], $0xF7A  }
0x26: {  	[smem:$0x3F99] =	sst s1;
	(tag) =	ssettag s2;
	_ =	strace s9  }
0x27: {  	s1 =	sld [smem:$0x3FA9]  }
0x28: {  	s2 =	sld [smem:$0x3FAA]  }
0x29: {  	s4 =	sld [smem:$0x3FAC]  }
0x2a: {  	p0 =	seq.s32 s5, $0x0;
	s5 =	sld [smem:$0x3FAD]  }
0x2b: {  	s6 =	sld [smem:$0x3FAE]  }
0x2c: {  	s7 =	sld [smem:$0x3FAF]  }
0x2d: {  	s3 =	simm.s32 $0x108;
	s8 =	sld [smem:$0x3FB0]  }
0x2e: {  	s3 =	simm.s32 @!p0 $0x1082;
	s9 =	sld [smem:$0x3FB1]  }
0x2f: {  	lr =	sadd.s32 s0, s3;
	s0 =	sld [smem:$0x3FA8]  }
0x30: {  	s3 =	sld [smem:$0x3FAB]  }
0x31: {  	[smem:$0x3FB4] =	sst s10  }
0x32: {  	s10 =	sld [smem:$0x3FB2];
	_ =	sdelay $0x3  }
0x33: {  	p0 =	seq.s32 s10, $0x1;
	s10 =	sld [smem:$0x3FB4];
	_ =	sdelay $0x3  }
0x34: {  	[smem:$0x3FB4] =	sst s10  }
0x35: {  	s10 =	sld [smem:$0x3FB3];
	_ =	sdelay $0x3  }
0x36: {  	p1 =	seq.s32 s10, $0x1;
	s10 =	sld [smem:$0x3FB4];
	_ =	sdelay $0x3  }
0x37: {  	[smem:$0x3FB4] =	sst s10  }
0x38: {  	s10 =	sld [smem:$0x3FB5]  }
0x39: {  	_ = 	snop;
	(pc) =	sbr.ind lr, $3  }
0x3a: {  	_ = 	snop  }
0x3b: {  	_ = 	snop  }
0x3c: {  	p2 =	seq.s32 s10, $0x1;
	s10 =	sld [smem:$0x3FB4]  }
0x3d: {  	_ =	shalt  }
0x3e: {  	_ =	shalt  }
0x3f: {  	_ =	shalt  }
0x40: {  	_ =	shalt  }
0x41: {  	_ =	shalt  }
0x42: {  	_ =	shalt  }
0x43: {  	_ =	shalt  }
0x44: {  	_ =	shalt  }
0x45: {  	_ =	shalt  }
0x46: {  	_ =	shalt  }
0x47: {  	_ =	shalt  }
0x48: {  	_ =	shalt  }
0x49: {  	_ =	shalt  }
0x4a: {  	_ =	shalt  }
0x4b: {  	_ =	shalt  }
0x4c: {  	_ =	shalt  }
0x4d: {  	_ =	shalt  }
0x4e: {  	_ =	shalt  }
0x4f: {  	_ =	shalt  }
0x50: {  	_ =	shalt  }
0x51: {  	_ =	shalt  }
0x52: {  	_ =	shalt  }
0x53: {  	_ =	shalt  }
0x54: {  	_ =	shalt  }
0x55: {  	_ =	shalt  }
0x56: {  	_ =	shalt  }
0x57: {  	_ =	shalt  }
0x58: {  	_ =	shalt  }
0x59: {  	_ =	shalt  }
0x5a: {  	_ =	shalt  }
0x5b: {  	_ =	shalt  }
0x5c: {  	_ =	shalt  }
0x5d: {  	_ =	shalt  }
0x5e: {  	_ =	shalt  }
0x5f: {  	_ =	shalt  }
0x60: {  	_ =	shalt  }
0x61: {  	_ =	shalt  }
0x62: {  	_ =	shalt  }
0x63: {  	_ =	shalt  }
0x64: {  	_ =	shalt  }
0x65: {  	_ =	shalt  }
0x66: {  	_ =	shalt  }
0x67: {  	_ =	shalt  }
0x68: {  	_ =	shalt  }
0x69: {  	_ =	shalt  }
0x6a: {  	_ =	shalt  }
0x6b: {  	_ =	shalt  }
0x6c: {  	_ =	shalt  }
0x6d: {  	_ =	shalt  }
0x6e: {  	_ =	shalt  }
0x6f: {  	_ =	shalt  }
0x70: {  	_ =	shalt  }
0x71: {  	_ =	shalt  }
0x72: {  	_ =	shalt  }
0x73: {  	_ =	shalt  }
0x74: {  	_ =	shalt  }
0x75: {  	_ =	shalt  }
0x76: {  	_ =	shalt  }
0x77: {  	_ =	shalt  }
0x78: {  	_ =	shalt  }
0x79: {  	_ =	shalt  }
0x7a: {  	_ =	shalt  }
0x7b: {  	_ =	shalt  }
0x7c: {  	_ =	shalt  }
0x7d: {  	_ =	shalt  }
0x7e: {  	_ =	shalt  }
0x7f: {  	_ =	shalt  }
0x80: {  	_ =	shalt  }
0x81: {  	_ =	shalt  }
0x82: {  	_ =	shalt  }
0x83: {  	_ =	shalt  }
0x84: {  	_ =	shalt  }
0x85: {  	_ =	shalt  }
0x86: {  	_ =	shalt  }
0x87: {  	_ =	shalt  }
.Lfunc_end0:
.L_simem_size_0:
called_computation.1_lowered:
.L_overlay_start_0:
0x88: {  	s2 =	sld [smem:$0x3FD9]  }
0x89: {  	s3 =	sld [smem:$0x3FFE];
	_ =	sdelay $0x1  }
0x8a: {  	s1 =	srdreg.scid  }
0x8b: {  	s0 =	sand.u32 $0x1, s1  }
0x8c: {  	s16 =	sshll.u32 s0, $0xA;
	s2 =	sadd.s32 s3, s2  }
0x8d: {  	s2 =	sadd.s32 s2, s16  }
0x8e: {  	[smem:$0x3FC0] =	sst s2  }
0x8f: {  	_ = 	snop  }
0x90: {  	(tm) =	ssettm $0x1  }
0x91: {  	s17 =	sld [smem:$0x3FFB];
	_ =	sdelay $0x3  }
0x92: {  	_ =	strace s17  }
0x93: {  	s2 =	sld [smem:$0x3FFC];
	_ =	sdelay $0x3  }
0x94: {  	_ =	strace s2  }
0x95: {  	s2 =	sld [smem:$0x3FFD];
	_ =	sdelay $0x3  }
0x96: {  	_ =	strace s2  }
0x97: {  	_ =	strace $0x8FFFFFFF  }
0x98: {  	s18 =	sld [smem:$0x3FDB];
	_ =	sdelay $0x1  }
0x99: {  	s19 =	simm.s32 $_scs_section_size  }
0x9a: {  	s4 =	simm.s32 $_size__tile_overlayer_lowered;
	s5 =	simm.s32 $_tile_overlayer_lowered  }
0x9b: {  	s22 =	simm.s32 $0x1BFF;
	s21 =	sshll.u32 s5, $0x1;
	s2 =	sadd.s32 s19, s18  }
0x9c: {  	s6 =	simm.s32 $0x0;
	s20 =	sshll.u32 s4, $0x1;
	s4 =	sadd.s32 s21, s2  }
0x9d: {  	[timem:s6], [sflag:s22] =	dma.local [hbm:s4], s20  }
0x9e: {  	_ =	swait.ge [sflag:s22], s20  }
0x9f: {  	s3 =	ssub.s32 $0x0, s20;
	[sflag:s22] =	ssyncset.done $0x0  }
0xa0: {  	[sflag:s22] =	ssyncadd.s32 s3;
	_ =	sdelay $0x1  }
0xa1: {  	s23 =	simm.s32 $0x1B8B  }
0xa2: {  	_ =	swait.ge [sflag:s23], $0x1  }
0xa3: {  	[sflag:s23] =	ssyncset.done $0x0  }
0xa4: {  	s25 =	simm.s32 $0x1B8E;
	s24 =	sld [smem:$0x3FFE];
	[sflag:s23] =	ssyncadd.s32 $0xFFFFFFFF  }
0xa5: {  	s26 =	simm.s32 $execute0_lowered;
	[smem:$0x3FD2] =	sst s25  }
0xa6: {  	s4 =	sshll.u32 s26, $0x1;
	_ =	strace $0x80000049;
	[dreg:$0x1] =	wrdreg $0xFFFFFFFF  }
0xa7: {  	s28 =	simm.s32 $_size_execute0_lowered;
	s2 =	sadd.s32 s2, s4;
	[dreg:$0x0] =	wrdreg $0x0  }
0xa8: {  	s4 =	sshll.u32 s28, $0x1;
	[dreg:$0x2] =	wrdreg s2  }
0xa9: {  	[dreg:$0x3] =	wrdreg s4  }
0xaa: {  	[dreg:$0x4] =	wrdreg $0xC0  }
0xab: {  	_ =	task [dreg:s6], $0x5FFFF  }
0xac: {  	[dreg:$0x1] =	wrdreg $0xFFFFFFFF  }
0xad: {  	[dreg:$0x0] =	wrdreg $0x60  }
0xae: {  	[dreg:$0x2] =	wrdreg s24  }
0xaf: {  	[dreg:$0x3] =	wrdreg $0xA5000  }
0xb0: {  	[dreg:$0x4] =	wrdreg $0x9  }
0xb1: {  	_ =	task.clear_ibuf [dreg:s6], $0x5FFFF;
	_ =	strace $0x90000049  }
0xb2: {  	s29 =	simm.s32 $0x9;
	_ =	strace $0x8000004B  }
0xb3: {  	_ =	swait.ge [sflag:s29], $0x1  }
0xb4: {  	[sflag:s29] =	ssyncadd.s32 $0xFFFFFFFF  }
0xb5: {  	_ =	strace $0x9000004B  }
0xb6: {  	_ =	sfence  }
0xb7: {  	s30 =	sld [smem:$0x0];
	_ =	sdelay $0x2  }
0xb8: {  	s31 =	sshll.u32 s1, $0xD;
	s1 =	sshrl.u32 s1, $0x2  }
0xb9: {  	s3 =	sand.u32 $0x4000, s31;
	s1 =	sadd.s32 s1, s30  }
0xba: {  	s0 =	sor.u32 s3, s0;
	s1 =	sshll.u32 s1, $0x11  }
0xbb: {  	s0 =	sor.u32 s1, s0  }
0xbc: {  	s0 =	sadd.s32 $0x8F2B, s0  }
0xbd: {  	[sflag:s0] =	ssyncadd.remote.s32 $0x1  }
0xbe: {  	_ =	sfence.sel $0xFFFF  }
0xbf: {  	[dreg:$0x0] =	wrdreg $0xFFFFFFFF;
	(pc) =	sbr.abs _section_cstart, $3  }
0xc0: {  	[dreg:$0x1] =	wrdreg $0xFFFFFFFF  }
0xc1: {  	_ =	task.clear_ibuf [dreg:s6], $0x2FFFF;
	_ =	strace $0x9FFFFFFF  }
0xc2: {  	(tm) =	ssettm $0x7FFFFFFF  }
0xc3: {  	_ =	shalt  }
tec
execute0_lowered:
.L_overlay_start_1:
0x0: {  	(tag) =	ssettag $0x1  }
0x1: {  	s7 =	rddreg [dreg:$0x0];
	s0 =	srdreg.scid  }
0x2: {  	s2 =	rddreg [dreg:$0x1];
	s1 =	stileid.u32  }
0x3: {  	s3 =	simm.s32 $0x0;
	s15 =	simm.s32 $0x7D;
	s16 =	simm.s32 $0x2800  }
0x4: {  	s17 =	simm.s32 $0x80;
	s18 =	simm.s32 $0x6680;
	s19 =	simm.s32 $0x1  }
0x5: {  	s20 =	simm.s32 $0x2;
	s21 =	simm.s32 $0x2700;
	s22 =	simm.s32 $0x2780  }
0x6: {  	s8 =	sand.u32 $0x1, s0;
	s0 =	rddreg [dreg:$0x2];
	s9 =	smul.u32 $0x13880, s1  }
0x7: {  	[smem:$0x7FF] =	sst s3;
	s5 =	sadd.s32 $0x67800, s7;
	s4 =	smul.u32 $0x27100, s8  }
0x8: {  	s12 =	sshll.u32 s1, $0x6;
	s6 =	smul.u32 $0x138800, s8;
	s8 =	ssub.s32 $0x2, s8  }
0x9: {  	_ =	strace $0x8000004A;
	s31 =	sshrl.u32 s8, $0x1;
	s14 =	sadd.s32 s9, s2  }
0xa: {  	s10 =	sadd.s32 s4, s7;
	s4 =	sadd.s32 $0x71800, s7;
	s11 =	sadd.s32 s9, s6  }
0xb: {  	s6 =	sadd.s32 $0xD000, s7;
	s13 =	ssub.s32 s8, s31;
	s11 =	sshrl.u32 s11, $0x3  }
0xc: {  	s8 =	smul.u32 $0x5000, s1;
	s9 =	sadd.s32 $0xF800, s10;
	s11 =	sadd.s32 s11, s7  }
0xd: {  	s7 =	sor.u32 $0x1C03, s12;
	s12 =	sshrl.u32 s14, $0x3;
	s14 =	simm.s32 $0x1400  }
0xe: {  	s10 =	sadd.s32 $0x7B800, s11;
	s11 =	smax.u32 s13, $0x1;
	s13 =	simm.s32 $0x3  }
.LBB2_1:
0xf: {  	[spmem:s12], [sflag:s7] =	dma.local [hbm:s6], $0x2710  }
0x10: {  	_ =	swait.ge [sflag:s13], $0x2710  }
0x11: {  	[sflag:s13] =	ssyncset.done $0x0  }
0x12: {  	[sflag:s13] =	ssyncadd.s32 $0xFFFFD8F0  }
0x13: {  	s23 =	simm.s32 $0x0;
	[bflag:$0x0] =	sbarrier.arrive $0xFFFF  }
.LBB2_2:
0x14: {  	s24 =	smul.u32 $0x1400, s23;
	_ =	sdelay $0x1  }
0x15: {  	s24 =	sadd.s32 s8, s24  }
0x16: {  	s24 =	sshrl.u32 s24, $0x3  }
0x17: {  	s26 =	simm.s32 $0x0;
	s25 =	sadd.s32 s4, s24  }
0x18: {  	[tilespmem:s26], [sflag:$0x3] =	stream.linear.gather [hbm4b:s25+s26], $0x1400, $0x38;
	[tilespmem:$0x1DD80] =	vst v63  }
0x19: {  	_ =	swait.ge [sflag:s13], $0x1400  }
0x1a: {  	[sflag:s13] =	ssyncset.done $0x0  }
0x1b: {  	s24 =	sadd.s32 s5, s24;
	[sflag:s13] =	ssyncadd.s32 $0xFFFFEC00  }
0x1c: {  	[tilespmem:s14], [sflag:$0x3] =	stream.linear.gather [hbm4b:s24+s26], $0x1400, $0x38;
	[tilespmem:$0x1DD80] =	vst v63  }
0x1d: {  	_ =	swait.ge [sflag:s13], $0x1400  }
0x1e: {  	[sflag:s13] =	ssyncset.done $0x0  }
0x1f: {  	[sflag:s13] =	ssyncadd.s32 $0xFFFFEC00  }
0x20: {  	[tilespmem:s16], [sflag:$0x1] =	stream.indirect.gather [hbm4b:s9+s15], $0x80, s26, s15, $0xb8;
	[tilespmem:$0x1DD80] =	vst v63  }
0x21: {  	_ = 	snop  }
0x22: {  	[tilespmem:s18], [sflag:$0x2] =	stream.indirect.gather [hbm4b:s9+s15], $0x80, s17, s15, $0xb8;
	[tilespmem:$0x1DD80] =	vst v63  }
0x23: {  	_ =	swait.ge [sflag:s19], $0x3E80  }
0x24: {  	[sflag:s19] =	ssyncset.done $0x0  }
0x25: {  	s29 =	simm.s32 $0x1400;
	[sflag:s19] =	ssyncadd.s32 $0xFFFFC180  }
0x26: {  	[spmem:s2] =	stream.indirect.scatter.add.f32 [tilespmem:s16], [sflag:$0x3], $0x80, s29, s15, $0xb8;
	[tilespmem:$0x1DD80] =	vst v63  }
0x27: {  	_ =	swait.ge [sflag:s13], $0x3E80  }
0x28: {  	[sflag:s13] =	ssyncset.done $0x0  }
0x29: {  	s30 =	simm.s32 $0x100;
	[sflag:s13] =	ssyncadd.s32 $0xFFFFC180  }
0x2a: {  	[tilespmem:s16], [sflag:$0x1] =	stream.indirect.gather [hbm4b:s9+s15], $0x80, s30, s15, $0xb8;
	[tilespmem:$0x1DD80] =	vst v63  }
0x2b: {  	_ =	swait.ge [sflag:s20], $0x3E80  }
0x2c: {  	[sflag:s20] =	ssyncset.done $0x0  }
0x2d: {  	s31 =	simm.s32 $0x1480;
	[sflag:s20] =	ssyncadd.s32 $0xFFFFC180  }
0x2e: {  	[spmem:s2] =	stream.indirect.scatter.add.f32 [tilespmem:s18], [sflag:$0x3], $0x80, s31, s15, $0xb8;
	[tilespmem:$0x1DD80] =	vst v63  }
0x2f: {  	_ =	swait.ge [sflag:s13], $0x3E80  }
0x30: {  	[sflag:s13] =	ssyncset.done $0x0  }
0x31: {  	s25 =	simm.s32 $0x180;
	s24 =	simm.s32 $0x400;
	[sflag:s13] =	ssyncadd.s32 $0xFFFFC180  }
.LBB2_3:
0x32: {  	[tilespmem:s18], [sflag:$0x2] =	stream.indirect.gather [hbm4b:s9+s15], $0x80, s25, s15, $0xb8;
	[tilespmem:$0x1DD80] =	vst v63  }
0x33: {  	s25 =	smov.u32 s24  }
0x34: {  	p0 =	sne.s32 s24, $0x4800;
	s24 =	sadd.s32 $0x400, s24;
	_ =	swait.ge [sflag:s19], $0x3E80  }
0x35: {  	s25 =	sshra.s32 s25, $0x2;
	[sflag:s19] =	ssyncset.done $0x0  }
0x36: {  	s26 =	sadd.s32 $0x1400, s25;
	[sflag:s19] =	ssyncadd.s32 $0xFFFFC180  }
0x37: {  	[spmem:s2] =	stream.indirect.scatter.add.f32 [tilespmem:s16], [sflag:$0x3], $0x80, s26, s15, $0xb8;
	[tilespmem:$0x1DD80] =	vst v63  }
0x38: {  	_ =	swait.ge [sflag:s13], $0x3E80  }
0x39: {  	[sflag:s13] =	ssyncset.done $0x0  }
0x3a: {  	s26 =	sadd.s32 $0x100, s25;
	[sflag:s13] =	ssyncadd.s32 $0xFFFFC180  }
0x3b: {  	[tilespmem:s16], [sflag:$0x1] =	stream.indirect.gather [hbm4b:s9+s15], $0x80, s26, s15, $0xb8;
	[tilespmem:$0x1DD80] =	vst v63  }
0x3c: {  	_ =	swait.ge [sflag:s20], $0x3E80  }
0x3d: {  	[sflag:s20] =	ssyncset.done $0x0  }
.Ltmp0:
0x3e: {  	s26 =	sadd.s32 $0x1480, s25;
	[sflag:s20] =	ssyncadd.s32 $0xFFFFC180;
	(pc) =	sbr.rel @p0 .LBB2_3-.Ltmp0, $4  }
0x3f: {  	[spmem:s2] =	stream.indirect.scatter.add.f32 [tilespmem:s18], [sflag:$0x3], $0x80, s26, s15, $0xb8;
	[tilespmem:$0x1DD80] =	vst v63  }
0x40: {  	_ =	swait.ge [sflag:s13], $0x3E80  }
0x41: {  	[sflag:s13] =	ssyncset.done $0x0  }
0x42: {  	s25 =	sadd.s32 $0x180, s25;
	[sflag:s13] =	ssyncadd.s32 $0xFFFFC180  }
0x43: {  	[tilespmem:s18], [sflag:$0x2] =	stream.indirect.gather [hbm4b:s9+s15], $0x80, s25, s15, $0xb8;
	[tilespmem:$0x1DD80] =	vst v63  }
0x44: {  	_ =	swait.ge [sflag:s19], $0x3E80  }
0x45: {  	[sflag:s19] =	ssyncset.done $0x0  }
0x46: {  	[sflag:s19] =	ssyncadd.s32 $0xFFFFC180  }
0x47: {  	[spmem:s2] =	stream.indirect.scatter.add.f32 [tilespmem:s16], [sflag:$0x3], $0x80, s21, s15, $0xb8;
	[tilespmem:$0x1DD80] =	vst v63  }
0x48: {  	_ =	swait.ge [sflag:s13], $0x3E80  }
0x49: {  	[sflag:s13] =	ssyncset.done $0x0  }
0x4a: {  	[sflag:s13] =	ssyncadd.s32 $0xFFFFC180  }
0x4b: {  	s23 =	sadd.s32 $0x1, s23;
	_ =	swait.ge [sflag:s20], $0x3E80  }
0x4c: {  	p0 =	sne.s32 s23, $0x4;
	[sflag:s20] =	ssyncset.done $0x0  }
.Ltmp1:
0x4d: {  	[sflag:s20] =	ssyncadd.s32 $0xFFFFC180;
	(pc) =	sbr.rel @p0 .LBB2_2-.Ltmp1, $4  }
0x4e: {  	[spmem:s2] =	stream.indirect.scatter.add.f32 [tilespmem:s18], [sflag:$0x3], $0x80, s22, s15, $0xb8;
	[tilespmem:$0x1DD80] =	vst v63  }
0x4f: {  	_ =	swait.ge [sflag:s13], $0x3E80  }
0x50: {  	[sflag:s13] =	ssyncset.done $0x0  }
0x51: {  	[sflag:s13] =	ssyncadd.s32 $0xFFFFC180  }
0x52: {  	s3 =	sadd.s32 $0x1, s3  }
0x53: {  	p0 =	sne.s32 s3, s11  }
.Ltmp2:
0x54: {  	[bflag:$0x0] =	sbarrier.arrive $0xFFFF;
	(pc) =	sbr.rel @p0 .LBB2_1-.Ltmp2, $4  }
0x55: {  	[hbm:s10], [sflag:s7] =	dma.local [spmem:s12], $0x2710  }
0x56: {  	_ =	swait.ge [sflag:s13], $0x2710  }
0x57: {  	[sflag:s13] =	ssyncset.done $0x0  }
0x58: {  	[sflag:s13] =	ssyncadd.s32 $0xFFFFD8F0  }
0x59: {  	_ =	sfence.sel $0x180000  }
0x5a: {  	[bflag:$0x0] =	sbarrier.arrive $0xFFFF  }
0x5b: {  	p0 =	sne.s32 s1, $0x0;
	_ =	strace $0x9000004A  }
0x5c: {  	s0 =	sadd.s32 @!p0 $0x100000, s0;
	[bflag:$0x2] =	sbarrier.arrive $0xFFFF  }
0x5d: {  	[sflag:s0] =	ssyncadd.tile.s32 @!p0 $0x1;
	_ =	shalt  }
.Lfunc_end2:
_tile_overlayer_lowered:
.L_overlay_start_2:
0x5e: {  	(tag) =	ssettag $0x2  }
0x5f: {  	s0 =	rddreg [dreg:$0x0];
	s2 =	stileid.u32  }
0x60: {  	s1 =	rddreg [dreg:$0x1];
	p0 =	sne.s32 s2, $0x0  }
0x61: {  	s3 =	rddreg [dreg:$0x2];
	[bflag:$0x3] =	sbarrier.arrive $0xFFFF;
	s2 =	simm.s32 @!p0 $0x1C03  }
0x62: {  	[timem:s3], [sflag:s2] =	dma.local @!p0 [hbm:s0], s1  }
0x63: {  	s0 =	simm.s32 @!p0 $0x3  }
0x64: {  	_ =	swait.ge @!p0 [sflag:s0], s1  }
0x65: {  	s1 =	ssub.s32 @!p0 $0x0, s1;
	[sflag:s0] =	ssyncset.done @!p0 $0x0  }
0x66: {  	[sflag:s0] =	ssyncadd.s32 @!p0 s1  }
0x67: {  	[bflag:$0x3] =	sbarrier.arrive $0xFFFF  }
0x68: {  	_ =	shalt  }

</sc_bundles>
